<compile_context>
chip_gen: v7x
topology: tpu7x:2x2x1
jax: 0.10.2.dev20260603
libtpu: 0.0.44.dev20260713+nightly
codegen_flags: <defaults>
</compile_context>

<pallas_src>
import functools

import jax
import jax.numpy as jnp
from jax import lax
from jax.experimental import pallas as pl
from jax.experimental.pallas import tpu as pltpu
from jax.experimental.pallas import tpu_sc as plsc

D_MODEL = 128
HALF = 64
ESZ = 1000
N_TOK = 1024 * 200
NC, NS, LANES = 2, 16, 16
NW = NC * NS
TPW = N_TOK // NW
CHUNK = 128
NCHUNK = TPW // CHUNK
EPS = float(jnp.finfo(jnp.float32).eps)
TOK_TILE = 256


def _fold_body(eh, el, opw, spw, spb, opb, ehp, elp, u):
    w = opw[...]
    w1 = w[:, :HALF]
    w2 = w[:, HALF:]
    dn = (((1,), (1,)), ((), ()))
    c = lax.dot_general(spb[...], w2, dn,
                        preferred_element_type=jnp.float32) + opb[...]
    half_c = 0.5 * c
    ehp[...] = lax.dot_general(eh[...], w1, dn,
                               preferred_element_type=jnp.float32) + half_c
    elp[...] = lax.dot_general(el[...], w1, dn,
                               preferred_element_type=jnp.float32) + half_c
    u[...] = lax.dot_general(spw[...], w2, dn,
                             preferred_element_type=jnp.float32)


def _fold_tables(eh, el, opw, spw_row, spb_row, opb_row):
    return pl.pallas_call(
        _fold_body,
        out_shape=[
            jax.ShapeDtypeStruct((ESZ, D_MODEL), jnp.float32),
            jax.ShapeDtypeStruct((ESZ, D_MODEL), jnp.float32),
            jax.ShapeDtypeStruct((1, D_MODEL), jnp.float32),
        ],
    )(eh, el, opw, spw_row, spb_row, opb_row)


mesh = plsc.VectorSubcoreMesh(core_axis_name="c", subcore_axis_name="s")


@functools.partial(
    pl.kernel,
    out_type=jax.ShapeDtypeStruct((N_TOK, D_MODEL), jnp.float32),
    mesh=mesh,
    scratch_types=[
        pltpu.VMEM((CHUNK,), jnp.int32),
        pltpu.VMEM((CHUNK,), jnp.int32),
        pltpu.VMEM((CHUNK,), jnp.int32),
        pltpu.VMEM((CHUNK, D_MODEL), jnp.float32),
        pltpu.VMEM((CHUNK, D_MODEL), jnp.float32),
        pltpu.SemaphoreType.DMA,
        pltpu.SemaphoreType.DMA,
    ],
)
def _sc_gather(ids_hbm, ehp_hbm, elp_hbm, out_hbm,
               ids_v, idx_h, idx_l, rows_h, rows_l, sem_h, sem_l):
    wid = lax.axis_index("s") * NC + lax.axis_index("c")
    base0 = wid * TPW

    def chunk_body(ci, carry):
        base = base0 + ci * CHUNK
        pltpu.sync_copy(ids_hbm.at[pl.ds(base, CHUNK)], ids_v)
        esz_vec = jnp.full((LANES,), ESZ, dtype=jnp.int32)
        for i in range(CHUNK // LANES):
            sl = pl.ds(i * LANES, LANES)
            v = ids_v[sl]
            h = lax.div(v, esz_vec)
            idx_h[sl] = h
            idx_l[sl] = lax.sub(v, lax.mul(h, esz_vec))
        cp_h = pltpu.async_copy(ehp_hbm.at[idx_h], rows_h, sem_h)
        cp_l = pltpu.async_copy(elp_hbm.at[idx_l], rows_l, sem_l)
        cp_h.wait()
        cp_l.wait()

        def row_body(r, rcarry):
            for j in range(D_MODEL // LANES):
                sl = pl.ds(j * LANES, LANES)
                rows_h[r, sl] = rows_h[r, sl] + rows_l[r, sl]
            return rcarry

        lax.fori_loop(0, CHUNK, row_body, 0)
        pltpu.sync_copy(rows_h, out_hbm.at[pl.ds(base, CHUNK)])
        return carry

    lax.fori_loop(0, NCHUNK, chunk_body, 0)


def _norm_body(g, sig, u, nw, out):
    x = g[...] + sig[...] * u[...]
    ms = jnp.mean(x * x, axis=-1, keepdims=True)
    out[...] = x * lax.rsqrt(ms + EPS) * nw[...]


def _norm(g, sig2d, u_row, nw_row):
    grid = (N_TOK // TOK_TILE,)
    return pl.pallas_call(
        _norm_body,
        grid=grid,
        in_specs=[
            pl.BlockSpec((TOK_TILE, D_MODEL), lambda i: (i, 0)),
            pl.BlockSpec((TOK_TILE, 1), lambda i: (i, 0)),
            pl.BlockSpec((1, D_MODEL), lambda i: (0, 0)),
            pl.BlockSpec((1, D_MODEL), lambda i: (0, 0)),
        ],
        out_specs=pl.BlockSpec((TOK_TILE, D_MODEL), lambda i: (i, 0)),
        out_shape=jax.ShapeDtypeStruct((N_TOK, D_MODEL), jnp.float32),
    )(g, sig2d, u_row, nw_row)


def kernel(kmer_ids, expected_signals, kmer_embed_high, kmer_embed_low,
           signal_proj_w, signal_proj_b, out_proj_w, out_proj_b, norm_w):
    B, L = kmer_ids.shape
    ids = kmer_ids.reshape(-1).astype(jnp.int32)
    sig2d = expected_signals.reshape(-1, 1)
    ehp, elp, u_row = _fold_tables(
        kmer_embed_high, kmer_embed_low, out_proj_w,
        signal_proj_w.reshape(1, HALF), signal_proj_b.reshape(1, HALF),
        out_proj_b.reshape(1, D_MODEL))
    g = _sc_gather(ids, ehp, elp)
    out = _norm(g, sig2d, u_row, norm_w.reshape(1, D_MODEL))
    return out.reshape(B, L, D_MODEL)

# --- scband reference (transcript-rebuilt; emitter-appended) ---
"""Pipeline reference for scband-reference-embedder-72816875536729 (READ-ONLY COPY).

The authoritative reference and input builder live on the scoring server;
editing this copy changes nothing except your own understanding.
"""

import jax, jax.numpy as jnp
import numpy as np

D_MODEL = 128
NUM_KMERS = 1000000
HALF = D_MODEL // 2
EMBED_SIZE = int(NUM_KMERS ** 0.5)
if EMBED_SIZE * EMBED_SIZE < NUM_KMERS:
    EMBED_SIZE += 1
B, L = 1024, 200


def setup_inputs(seed: int = 0) -> dict:
    key = jax.random.key(seed)
    ks = jax.random.split(key, 9)
    kmer_ids = jax.random.randint(ks[0], (B, L), 0, NUM_KMERS)
    expected_signals = jax.random.normal(ks[1], (B, L), dtype=jnp.float32)
    kmer_embed_high = jax.random.normal(ks[2], (EMBED_SIZE, HALF), dtype=jnp.float32) * 0.02
    kmer_embed_low = jax.random.normal(ks[3], (EMBED_SIZE, HALF), dtype=jnp.float32) * 0.02
    signal_proj_w = jax.random.normal(ks[4], (HALF, 1), dtype=jnp.float32) * 0.5
    signal_proj_b = jax.random.normal(ks[5], (HALF,), dtype=jnp.float32) * 0.01
    out_proj_w = jax.random.normal(ks[6], (D_MODEL, D_MODEL), dtype=jnp.float32) * (1.0 / np.sqrt(D_MODEL))
    out_proj_b = jax.random.normal(ks[7], (D_MODEL,), dtype=jnp.float32) * 0.01
    norm_w = jnp.ones((D_MODEL,), dtype=jnp.float32)
    return {
        "kmer_ids": kmer_ids,
        "expected_signals": expected_signals,
        "kmer_embed_high": kmer_embed_high,
        "kmer_embed_low": kmer_embed_low,
        "signal_proj_w": signal_proj_w,
        "signal_proj_b": signal_proj_b,
        "out_proj_w": out_proj_w,
        "out_proj_b": out_proj_b,
        "norm_w": norm_w,
    }


def _rmsnorm(x, w):
    eps = jnp.finfo(jnp.float32).eps
    ms = jnp.mean(x * x, axis=-1, keepdims=True)
    return x * jax.lax.rsqrt(ms + eps) * w


def reference(kmer_ids, expected_signals, kmer_embed_high, kmer_embed_low,
              signal_proj_w, signal_proj_b, out_proj_w, out_proj_b, norm_w):
    # compositional k-mer embedding: gather high and low tables, sum
    high = kmer_ids // EMBED_SIZE
    low = kmer_ids % EMBED_SIZE
    kmer_emb = jnp.take(kmer_embed_high, high, axis=0) + jnp.take(kmer_embed_low, low, axis=0)
    # signal projection: Linear(1, HALF)
    sig_emb = expected_signals[..., None] @ signal_proj_w.T + signal_proj_b
    combined = jnp.concatenate([kmer_emb, sig_emb], axis=-1)
    out = combined @ out_proj_w.T + out_proj_b
    return _rmsnorm(out, norm_w)

if __name__ == "__main__":
    import jax
    _d = setup_inputs()
    print(jax.jit(kernel)(*tuple(_d.values())))

</pallas_src>

<mosaic_0001>
#map = affine_map<(d0, d1) -> (0)>
#map1 = affine_map<(d0, d1) -> (0, 0)>
module attributes {stable_mosaic.version = 14 : i64} {
  func.func @_sc_gather(%arg0: i32, %arg1: i32, %arg2: memref<204800xi32, #tpu.memory_space<hbm>>, %arg3: memref<1000x128xf32, #tpu.memory_space<hbm>>, %arg4: memref<1000x128xf32, #tpu.memory_space<hbm>>, %arg5: memref<204800x128xf32, #tpu.memory_space<hbm>>, %arg6: memref<128xi32, #tpu.memory_space<vmem>>, %arg7: memref<128xi32, #tpu.memory_space<vmem>>, %arg8: memref<128xi32, #tpu.memory_space<vmem>>, %arg9: memref<128x128xf32, #tpu.memory_space<vmem>>, %arg10: memref<128x128xf32, #tpu.memory_space<vmem>>, %arg11: memref<!tpu.dma_semaphore, #tpu.memory_space<semaphore_mem>>, %arg12: memref<!tpu.dma_semaphore, #tpu.memory_space<semaphore_mem>>) attributes {dimension_semantics = [#tpu.dimension_semantics<core_parallel>, #tpu.dimension_semantics<subcore_parallel>], iteration_bounds = array<i64: 2, 16>, scalar_prefetch = 0 : i64, scratch_operands = 7 : i64, tpu.core_type = #tpu.core_type<sc_vector_subcore>, window_params = [{transform_indices = #map}, {transform_indices = #map1}, {transform_indices = #map1}, {transform_indices = #map1}]} {
    %mul3A = arith.constant 2 : i32
    %mul3A_0 = arith.muli %arg1, %mul3A : i32
    %add3A = arith.addi %mul3A_0, %arg0 : i32
    %mul3A_1 = arith.constant 6400 : i32
    %mul3A_2 = arith.muli %add3A, %mul3A_1 : i32
    %scan3A = arith.constant 0 : i32
    %scan3A_3 = arith.constant 0 : i32
    %scan3A_4 = arith.constant 50 : i32
    %scan3A_5 = arith.addi %scan3A_3, %scan3A_4 : i32
    %scan3A_6 = arith.constant 1 : i32
    scf.for %scan3A_8 = %scan3A_3 to %scan3A_5 step %scan3A_6  : i32 {
      %mul3A_9 = arith.constant 128 : i32
      %mul3A_10 = arith.muli %scan3A_8, %mul3A_9 : i32
      %add3A_11 = arith.addi %mul3A_2, %mul3A_10 : i32
      "tpu.region"() ({
        %run_scoped3A = tpu.sem_alloc : memref<!tpu.dma_semaphore, #tpu.memory_space<semaphore_mem>>
        %dma_start3A_137 = tpu.memref_slice %arg2[%add3A_11] : memref<204800xi32, #tpu.memory_space<hbm>> -> memref<128xi32, #tpu.memory_space<hbm>>
        %dma_start3A_138 = tpu.memref_slice %arg2[%add3A_11] : memref<204800xi32, #tpu.memory_space<hbm>> -> memref<128xi32, #tpu.memory_space<hbm>>
        tpu.enqueue_dma source(%dma_start3A_138 : memref<128xi32, #tpu.memory_space<hbm>>) target(%arg6 : memref<128xi32, #tpu.memory_space<vmem>>) target_semaphore(%run_scoped3A : memref<!tpu.dma_semaphore, #tpu.memory_space<semaphore_mem>>)
        %dma_wait3A_139 = tpu.memref_slice %arg2[%add3A_11] : memref<204800xi32, #tpu.memory_space<hbm>> -> memref<128xi32, #tpu.memory_space<hbm>>
        %dma_wait3A_140 = tpu.memref_slice %arg2[%add3A_11] : memref<204800xi32, #tpu.memory_space<hbm>> -> memref<128xi32, #tpu.memory_space<hbm>>
        tpu.wait_dma2 semaphore(%run_scoped3A : memref<!tpu.dma_semaphore, #tpu.memory_space<semaphore_mem>>) src(%dma_wait3A_140 : memref<128xi32, #tpu.memory_space<hbm>>) dst(%arg6 : memref<128xi32, #tpu.memory_space<vmem>>)
        tpu.yield
      }) : () -> ()
      %broadcast_in_dim3A = arith.constant 1000 : i32
      %broadcast_in_dim3A_12 = vector.broadcast %broadcast_in_dim3A : i32 to vector<16xi32>
      %get3A = arith.constant 0 : index
      %get3A_13 = tpu.vector_load %arg6[%get3A] {strides = array<i32>} : memref<128xi32, #tpu.memory_space<vmem>>, vector<16xi32>,
      %get3A_14 = vector.shape_cast %get3A_13 : vector<16xi32> to vector<16xi32>
      %div3A = arith.divsi %get3A_14, %broadcast_in_dim3A_12 : vector<16xi32>
      %swap3A = arith.constant 0 : index
      %swap3A_15 = tpu.vector_load %arg7[%swap3A] {strides = array<i32>} : memref<128xi32, #tpu.memory_space<vmem>>, vector<16xi32>,
      %swap3A_16 = vector.shape_cast %swap3A_15 : vector<16xi32> to vector<16xi32>
      %swap3A_17 = vector.shape_cast %div3A : vector<16xi32> to vector<16xi32>
      tpu.vector_store %arg7[%swap3A], %swap3A_17 {strides = array<i32>} : memref<128xi32, #tpu.memory_space<vmem>>, vector<16xi32>,
      %mul3A_18 = arith.muli %div3A, %broadcast_in_dim3A_12 : vector<16xi32>
      %sub3A = arith.subi %get3A_14, %mul3A_18 : vector<16xi32>
      %swap3A_19 = arith.constant 0 : index
      %swap3A_20 = tpu.vector_load %arg8[%swap3A_19] {strides = array<i32>} : memref<128xi32, #tpu.memory_space<vmem>>, vector<16xi32>,
      %swap3A_21 = vector.shape_cast %swap3A_20 : vector<16xi32> to vector<16xi32>
      %swap3A_22 = vector.shape_cast %sub3A : vector<16xi32> to vector<16xi32>
      tpu.vector_store %arg8[%swap3A_19], %swap3A_22 {strides = array<i32>} : memref<128xi32, #tpu.memory_space<vmem>>, vector<16xi32>,
      %get3A_23 = arith.constant 16 : index
      %get3A_24 = tpu.vector_load %arg6[%get3A_23] {strides = array<i32>} : memref<128xi32, #tpu.memory_space<vmem>>, vector<16xi32>,
      %get3A_25 = vector.shape_cast %get3A_24 : vector<16xi32> to vector<16xi32>
      %div3A_26 = arith.divsi %get3A_25, %broadcast_in_dim3A_12 : vector<16xi32>
      %swap3A_27 = arith.constant 16 : index
      %swap3A_28 = tpu.vector_load %arg7[%swap3A_27] {strides = array<i32>} : memref<128xi32, #tpu.memory_space<vmem>>, vector<16xi32>,
      %swap3A_29 = vector.shape_cast %swap3A_28 : vector<16xi32> to vector<16xi32>
      %swap3A_30 = vector.shape_cast %div3A_26 : vector<16xi32> to vector<16xi32>
      tpu.vector_store %arg7[%swap3A_27], %swap3A_30 {strides = array<i32>} : memref<128xi32, #tpu.memory_space<vmem>>, vector<16xi32>,
      %mul3A_31 = arith.muli %div3A_26, %broadcast_in_dim3A_12 : vector<16xi32>
      %sub3A_32 = arith.subi %get3A_25, %mul3A_31 : vector<16xi32>
      %swap3A_33 = arith.constant 16 : index
      %swap3A_34 = tpu.vector_load %arg8[%swap3A_33] {strides = array<i32>} : memref<128xi32, #tpu.memory_space<vmem>>, vector<16xi32>,
      %swap3A_35 = vector.shape_cast %swap3A_34 : vector<16xi32> to vector<16xi32>
      %swap3A_36 = vector.shape_cast %sub3A_32 : vector<16xi32> to vector<16xi32>
      tpu.vector_store %arg8[%swap3A_33], %swap3A_36 {strides = array<i32>} : memref<128xi32, #tpu.memory_space<vmem>>, vector<16xi32>,
      %get3A_37 = arith.constant 32 : index
      %get3A_38 = tpu.vector_load %arg6[%get3A_37] {strides = array<i32>} : memref<128xi32, #tpu.memory_space<vmem>>, vector<16xi32>,
      %get3A_39 = vector.shape_cast %get3A_38 : vector<16xi32> to vector<16xi32>
      %div3A_40 = arith.divsi %get3A_39, %broadcast_in_dim3A_12 : vector<16xi32>
      %swap3A_41 = arith.constant 32 : index
      %swap3A_42 = tpu.vector_load %arg7[%swap3A_41] {strides = array<i32>} : memref<128xi32, #tpu.memory_space<vmem>>, vector<16xi32>,
      %swap3A_43 = vector.shape_cast %swap3A_42 : vector<16xi32> to vector<16xi32>
      %swap3A_44 = vector.shape_cast %div3A_40 : vector<16xi32> to vector<16xi32>
      tpu.vector_store %arg7[%swap3A_41], %swap3A_44 {strides = array<i32>} : memref<128xi32, #tpu.memory_space<vmem>>, vector<16xi32>,
      %mul3A_45 = arith.muli %div3A_40, %broadcast_in_dim3A_12 : vector<16xi32>
      %sub3A_46 = arith.subi %get3A_39, %mul3A_45 : vector<16xi32>
      %swap3A_47 = arith.constant 32 : index
      %swap3A_48 = tpu.vector_load %arg8[%swap3A_47] {strides = array<i32>} : memref<128xi32, #tpu.memory_space<vmem>>, vector<16xi32>,
      %swap3A_49 = vector.shape_cast %swap3A_48 : vector<16xi32> to vector<16xi32>
      %swap3A_50 = vector.shape_cast %sub3A_46 : vector<16xi32> to vector<16xi32>
      tpu.vector_store %arg8[%swap3A_47], %swap3A_50 {strides = array<i32>} : memref<128xi32, #tpu.memory_space<vmem>>, vector<16xi32>,
      %get3A_51 = arith.constant 48 : index
      %get3A_52 = tpu.vector_load %arg6[%get3A_51] {strides = array<i32>} : memref<128xi32, #tpu.memory_space<vmem>>, vector<16xi32>,
      %get3A_53 = vector.shape_cast %get3A_52 : vector<16xi32> to vector<16xi32>
      %div3A_54 = arith.divsi %get3A_53, %broadcast_in_dim3A_12 : vector<16xi32>
      %swap3A_55 = arith.constant 48 : index
      %swap3A_56 = tpu.vector_load %arg7[%swap3A_55] {strides = array<i32>} : memref<128xi32, #tpu.memory_space<vmem>>, vector<16xi32>,
      %swap3A_57 = vector.shape_cast %swap3A_56 : vector<16xi32> to vector<16xi32>
      %swap3A_58 = vector.shape_cast %div3A_54 : vector<16xi32> to vector<16xi32>
      tpu.vector_store %arg7[%swap3A_55], %swap3A_58 {strides = array<i32>} : memref<128xi32, #tpu.memory_space<vmem>>, vector<16xi32>,
      %mul3A_59 = arith.muli %div3A_54, %broadcast_in_dim3A_12 : vector<16xi32>
      %sub3A_60 = arith.subi %get3A_53, %mul3A_59 : vector<16xi32>
      %swap3A_61 = arith.constant 48 : index
      %swap3A_62 = tpu.vector_load %arg8[%swap3A_61] {strides = array<i32>} : memref<128xi32, #tpu.memory_space<vmem>>, vector<16xi32>,
      %swap3A_63 = vector.shape_cast %swap3A_62 : vector<16xi32> to vector<16xi32>
      %swap3A_64 = vector.shape_cast %sub3A_60 : vector<16xi32> to vector<16xi32>
      tpu.vector_store %arg8[%swap3A_61], %swap3A_64 {strides = array<i32>} : memref<128xi32, #tpu.memory_space<vmem>>, vector<16xi32>,
      %get3A_65 = arith.constant 64 : index
      %get3A_66 = tpu.vector_load %arg6[%get3A_65] {strides = array<i32>} : memref<128xi32, #tpu.memory_space<vmem>>, vector<16xi32>,
      %get3A_67 = vector.shape_cast %get3A_66 : vector<16xi32> to vector<16xi32>
      %div3A_68 = arith.divsi %get3A_67, %broadcast_in_dim3A_12 : vector<16xi32>
      %swap3A_69 = arith.constant 64 : index
      %swap3A_70 = tpu.vector_load %arg7[%swap3A_69] {strides = array<i32>} : memref<128xi32, #tpu.memory_space<vmem>>, vector<16xi32>,
      %swap3A_71 = vector.shape_cast %swap3A_70 : vector<16xi32> to vector<16xi32>
      %swap3A_72 = vector.shape_cast %div3A_68 : vector<16xi32> to vector<16xi32>
      tpu.vector_store %arg7[%swap3A_69], %swap3A_72 {strides = array<i32>} : memref<128xi32, #tpu.memory_space<vmem>>, vector<16xi32>,
      %mul3A_73 = arith.muli %div3A_68, %broadcast_in_dim3A_12 : vector<16xi32>
      %sub3A_74 = arith.subi %get3A_67, %mul3A_73 : vector<16xi32>
      %swap3A_75 = arith.constant 64 : index
      %swap3A_76 = tpu.vector_load %arg8[%swap3A_75] {strides = array<i32>} : memref<128xi32, #tpu.memory_space<vmem>>, vector<16xi32>,
      %swap3A_77 = vector.shape_cast %swap3A_76 : vector<16xi32> to vector<16xi32>
      %swap3A_78 = vector.shape_cast %sub3A_74 : vector<16xi32> to vector<16xi32>
      tpu.vector_store %arg8[%swap3A_75], %swap3A_78 {strides = array<i32>} : memref<128xi32, #tpu.memory_space<vmem>>, vector<16xi32>,
      %get3A_79 = arith.constant 80 : index
      %get3A_80 = tpu.vector_load %arg6[%get3A_79] {strides = array<i32>} : memref<128xi32, #tpu.memory_space<vmem>>, vector<16xi32>,
      %get3A_81 = vector.shape_cast %get3A_80 : vector<16xi32> to vector<16xi32>
      %div3A_82 = arith.divsi %get3A_81, %broadcast_in_dim3A_12 : vector<16xi32>
      %swap3A_83 = arith.constant 80 : index
      %swap3A_84 = tpu.vector_load %arg7[%swap3A_83] {strides = array<i32>} : memref<128xi32, #tpu.memory_space<vmem>>, vector<16xi32>,
      %swap3A_85 = vector.shape_cast %swap3A_84 : vector<16xi32> to vector<16xi32>
      %swap3A_86 = vector.shape_cast %div3A_82 : vector<16xi32> to vector<16xi32>
      tpu.vector_store %arg7[%swap3A_83], %swap3A_86 {strides = array<i32>} : memref<128xi32, #tpu.memory_space<vmem>>, vector<16xi32>,
      %mul3A_87 = arith.muli %div3A_82, %broadcast_in_dim3A_12 : vector<16xi32>
      %sub3A_88 = arith.subi %get3A_81, %mul3A_87 : vector<16xi32>
      %swap3A_89 = arith.constant 80 : index
      %swap3A_90 = tpu.vector_load %arg8[%swap3A_89] {strides = array<i32>} : memref<128xi32, #tpu.memory_space<vmem>>, vector<16xi32>,
      %swap3A_91 = vector.shape_cast %swap3A_90 : vector<16xi32> to vector<16xi32>
      %swap3A_92 = vector.shape_cast %sub3A_88 : vector<16xi32> to vector<16xi32>
      tpu.vector_store %arg8[%swap3A_89], %swap3A_92 {strides = array<i32>} : memref<128xi32, #tpu.memory_space<vmem>>, vector<16xi32>,
      %get3A_93 = arith.constant 96 : index
      %get3A_94 = tpu.vector_load %arg6[%get3A_93] {strides = array<i32>} : memref<128xi32, #tpu.memory_space<vmem>>, vector<16xi32>,
      %get3A_95 = vector.shape_cast %get3A_94 : vector<16xi32> to vector<16xi32>
      %div3A_96 = arith.divsi %get3A_95, %broadcast_in_dim3A_12 : vector<16xi32>
      %swap3A_97 = arith.constant 96 : index
      %swap3A_98 = tpu.vector_load %arg7[%swap3A_97] {strides = array<i32>} : memref<128xi32, #tpu.memory_space<vmem>>, vector<16xi32>,
      %swap3A_99 = vector.shape_cast %swap3A_98 : vector<16xi32> to vector<16xi32>
      %swap3A_100 = vector.shape_cast %div3A_96 : vector<16xi32> to vector<16xi32>
      tpu.vector_store %arg7[%swap3A_97], %swap3A_100 {strides = array<i32>} : memref<128xi32, #tpu.memory_space<vmem>>, vector<16xi32>,
      %mul3A_101 = arith.muli %div3A_96, %broadcast_in_dim3A_12 : vector<16xi32>
      %sub3A_102 = arith.subi %get3A_95, %mul3A_101 : vector<16xi32>
      %swap3A_103 = arith.constant 96 : index
      %swap3A_104 = tpu.vector_load %arg8[%swap3A_103] {strides = array<i32>} : memref<128xi32, #tpu.memory_space<vmem>>, vector<16xi32>,
      %swap3A_105 = vector.shape_cast %swap3A_104 : vector<16xi32> to vector<16xi32>
      %swap3A_106 = vector.shape_cast %sub3A_102 : vector<16xi32> to vector<16xi32>
      tpu.vector_store %arg8[%swap3A_103], %swap3A_106 {strides = array<i32>} : memref<128xi32, #tpu.memory_space<vmem>>, vector<16xi32>,
      %get3A_107 = arith.constant 112 : index
      %get3A_108 = tpu.vector_load %arg6[%get3A_107] {strides = array<i32>} : memref<128xi32, #tpu.memory_space<vmem>>, vector<16xi32>,
      %get3A_109 = vector.shape_cast %get3A_108 : vector<16xi32> to vector<16xi32>
      %div3A_110 = arith.divsi %get3A_109, %broadcast_in_dim3A_12 : vector<16xi32>
      %swap3A_111 = arith.constant 112 : index
      %swap3A_112 = tpu.vector_load %arg7[%swap3A_111] {strides = array<i32>} : memref<128xi32, #tpu.memory_space<vmem>>, vector<16xi32>,
      %swap3A_113 = vector.shape_cast %swap3A_112 : vector<16xi32> to vector<16xi32>
      %swap3A_114 = vector.shape_cast %div3A_110 : vector<16xi32> to vector<16xi32>
      tpu.vector_store %arg7[%swap3A_111], %swap3A_114 {strides = array<i32>} : memref<128xi32, #tpu.memory_space<vmem>>, vector<16xi32>,
      %mul3A_115 = arith.muli %div3A_110, %broadcast_in_dim3A_12 : vector<16xi32>
      %sub3A_116 = arith.subi %get3A_109, %mul3A_115 : vector<16xi32>
      %swap3A_117 = arith.constant 112 : index
      %swap3A_118 = tpu.vector_load %arg8[%swap3A_117] {strides = array<i32>} : memref<128xi32, #tpu.memory_space<vmem>>, vector<16xi32>,
      %swap3A_119 = vector.shape_cast %swap3A_118 : vector<16xi32> to vector<16xi32>
      %swap3A_120 = vector.shape_cast %sub3A_116 : vector<16xi32> to vector<16xi32>
      tpu.vector_store %arg8[%swap3A_117], %swap3A_120 {strides = array<i32>} : memref<128xi32, #tpu.memory_space<vmem>>, vector<16xi32>,
      %dma_start3A = arith.constant 0 : i32
      %dma_start3A_121 = arith.constant 0 : i32
      %dma_start3A_122 = tpu.memref_slice %arg3[%dma_start3A, %dma_start3A_121] : memref<1000x128xf32, #tpu.memory_space<hbm>> -> memref<1000x128xf32, #tpu.memory_space<hbm>>
      tpu.enqueue_indirect_dma source(%dma_start3A_122 : memref<1000x128xf32, #tpu.memory_space<hbm>>) target(%arg9 : memref<128x128xf32, #tpu.memory_space<vmem>>) offsets(%arg7 : memref<128xi32, #tpu.memory_space<vmem>>) semaphore(%arg11 : memref<!tpu.dma_semaphore, #tpu.memory_space<semaphore_mem>>)
      %dma_start3A_123 = arith.constant 0 : i32
      %dma_start3A_124 = arith.constant 0 : i32
      %dma_start3A_125 = tpu.memref_slice %arg4[%dma_start3A_123, %dma_start3A_124] : memref<1000x128xf32, #tpu.memory_space<hbm>> -> memref<1000x128xf32, #tpu.memory_space<hbm>>
      tpu.enqueue_indirect_dma source(%dma_start3A_125 : memref<1000x128xf32, #tpu.memory_space<hbm>>) target(%arg10 : memref<128x128xf32, #tpu.memory_space<vmem>>) offsets(%arg8 : memref<128xi32, #tpu.memory_space<vmem>>) semaphore(%arg12 : memref<!tpu.dma_semaphore, #tpu.memory_space<semaphore_mem>>)
      %dma_wait3A = arith.constant 0 : i32
      %dma_wait3A_126 = arith.constant 0 : i32
      %dma_wait3A_127 = tpu.memref_slice %arg3[%dma_wait3A, %dma_wait3A_126] : memref<1000x128xf32, #tpu.memory_space<hbm>> -> memref<1000x128xf32, #tpu.memory_space<hbm>>
      tpu.wait_indirect_dma semaphore(%arg11 : memref<!tpu.dma_semaphore, #tpu.memory_space<semaphore_mem>>) src(%dma_wait3A_127 : memref<1000x128xf32, #tpu.memory_space<hbm>>) dst(%arg9 : memref<128x128xf32, #tpu.memory_space<vmem>>)
      %dma_wait3A_128 = arith.constant 0 : i32
      %dma_wait3A_129 = arith.constant 0 : i32
      %dma_wait3A_130 = tpu.memref_slice %arg4[%dma_wait3A_128, %dma_wait3A_129] : memref<1000x128xf32, #tpu.memory_space<hbm>> -> memref<1000x128xf32, #tpu.memory_space<hbm>>
      tpu.wait_indirect_dma semaphore(%arg12 : memref<!tpu.dma_semaphore, #tpu.memory_space<semaphore_mem>>) src(%dma_wait3A_130 : memref<1000x128xf32, #tpu.memory_space<hbm>>) dst(%arg10 : memref<128x128xf32, #tpu.memory_space<vmem>>)
      %scan3A_131 = arith.constant 0 : i32
      %scan3A_132 = arith.constant 0 : i32
      %scan3A_133 = arith.constant 128 : i32
      %scan3A_134 = arith.addi %scan3A_132, %scan3A_133 : i32
      %scan3A_135 = arith.constant 1 : i32
      scf.for %scan3A_137 = %scan3A_132 to %scan3A_134 step %scan3A_135  : i32 {
        %get3A_138 = arith.index_cast %scan3A_137 : i32 to index
        %get3A_139 = arith.constant 0 : index
        %get3A_140 = tpu.vector_load %arg9[%get3A_138, %get3A_139] {strides = array<i32>} : memref<128x128xf32, #tpu.memory_space<vmem>>, vector<1x16xf32>,
        %get3A_141 = vector.shape_cast %get3A_140 : vector<1x16xf32> to vector<16xf32>
        %get3A_142 = arith.index_cast %scan3A_137 : i32 to index
        %get3A_143 = arith.constant 0 : index
        %get3A_144 = tpu.vector_load %arg10[%get3A_142, %get3A_143] {strides = array<i32>} : memref<128x128xf32, #tpu.memory_space<vmem>>, vector<1x16xf32>,
        %get3A_145 = vector.shape_cast %get3A_144 : vector<1x16xf32> to vector<16xf32>
        %add3A_146 = arith.addf %get3A_141, %get3A_145 : vector<16xf32>
        %swap3A_147 = arith.index_cast %scan3A_137 : i32 to index
        %swap3A_148 = arith.constant 0 : index
        %swap3A_149 = tpu.vector_load %arg9[%swap3A_147, %swap3A_148] {strides = array<i32>} : memref<128x128xf32, #tpu.memory_space<vmem>>, vector<1x16xf32>,
        %swap3A_150 = vector.shape_cast %swap3A_149 : vector<1x16xf32> to vector<16xf32>
        %swap3A_151 = vector.shape_cast %add3A_146 : vector<16xf32> to vector<1x16xf32>
        tpu.vector_store %arg9[%swap3A_147, %swap3A_148], %swap3A_151 {strides = array<i32>} : memref<128x128xf32, #tpu.memory_space<vmem>>, vector<1x16xf32>,
        %get3A_152 = arith.index_cast %scan3A_137 : i32 to index
        %get3A_153 = arith.constant 16 : index
        %get3A_154 = tpu.vector_load %arg9[%get3A_152, %get3A_153] {strides = array<i32>} : memref<128x128xf32, #tpu.memory_space<vmem>>, vector<1x16xf32>,
        %get3A_155 = vector.shape_cast %get3A_154 : vector<1x16xf32> to vector<16xf32>
        %get3A_156 = arith.index_cast %scan3A_137 : i32 to index
        %get3A_157 = arith.constant 16 : index
        %get3A_158 = tpu.vector_load %arg10[%get3A_156, %get3A_157] {strides = array<i32>} : memref<128x128xf32, #tpu.memory_space<vmem>>, vector<1x16xf32>,
        %get3A_159 = vector.shape_cast %get3A_158 : vector<1x16xf32> to vector<16xf32>
        %add3A_160 = arith.addf %get3A_155, %get3A_159 : vector<16xf32>
        %swap3A_161 = arith.index_cast %scan3A_137 : i32 to index
        %swap3A_162 = arith.constant 16 : index
        %swap3A_163 = tpu.vector_load %arg9[%swap3A_161, %swap3A_162] {strides = array<i32>} : memref<128x128xf32, #tpu.memory_space<vmem>>, vector<1x16xf32>,
        %swap3A_164 = vector.shape_cast %swap3A_163 : vector<1x16xf32> to vector<16xf32>
        %swap3A_165 = vector.shape_cast %add3A_160 : vector<16xf32> to vector<1x16xf32>
        tpu.vector_store %arg9[%swap3A_161, %swap3A_162], %swap3A_165 {strides = array<i32>} : memref<128x128xf32, #tpu.memory_space<vmem>>, vector<1x16xf32>,
        %get3A_166 = arith.index_cast %scan3A_137 : i32 to index
        %get3A_167 = arith.constant 32 : index
        %get3A_168 = tpu.vector_load %arg9[%get3A_166, %get3A_167] {strides = array<i32>} : memref<128x128xf32, #tpu.memory_space<vmem>>, vector<1x16xf32>,
        %get3A_169 = vector.shape_cast %get3A_168 : vector<1x16xf32> to vector<16xf32>
        %get3A_170 = arith.index_cast %scan3A_137 : i32 to index
        %get3A_171 = arith.constant 32 : index
        %get3A_172 = tpu.vector_load %arg10[%get3A_170, %get3A_171] {strides = array<i32>} : memref<128x128xf32, #tpu.memory_space<vmem>>, vector<1x16xf32>,
        %get3A_173 = vector.shape_cast %get3A_172 : vector<1x16xf32> to vector<16xf32>
        %add3A_174 = arith.addf %get3A_169, %get3A_173 : vector<16xf32>
        %swap3A_175 = arith.index_cast %scan3A_137 : i32 to index
        %swap3A_176 = arith.constant 32 : index
        %swap3A_177 = tpu.vector_load %arg9[%swap3A_175, %swap3A_176] {strides = array<i32>} : memref<128x128xf32, #tpu.memory_space<vmem>>, vector<1x16xf32>,
        %swap3A_178 = vector.shape_cast %swap3A_177 : vector<1x16xf32> to vector<16xf32>
        %swap3A_179 = vector.shape_cast %add3A_174 : vector<16xf32> to vector<1x16xf32>
        tpu.vector_store %arg9[%swap3A_175, %swap3A_176], %swap3A_179 {strides = array<i32>} : memref<128x128xf32, #tpu.memory_space<vmem>>, vector<1x16xf32>,
        %get3A_180 = arith.index_cast %scan3A_137 : i32 to index
        %get3A_181 = arith.constant 48 : index
        %get3A_182 = tpu.vector_load %arg9[%get3A_180, %get3A_181] {strides = array<i32>} : memref<128x128xf32, #tpu.memory_space<vmem>>, vector<1x16xf32>,
        %get3A_183 = vector.shape_cast %get3A_182 : vector<1x16xf32> to vector<16xf32>
        %get3A_184 = arith.index_cast %scan3A_137 : i32 to index
        %get3A_185 = arith.constant 48 : index
        %get3A_186 = tpu.vector_load %arg10[%get3A_184, %get3A_185] {strides = array<i32>} : memref<128x128xf32, #tpu.memory_space<vmem>>, vector<1x16xf32>,
        %get3A_187 = vector.shape_cast %get3A_186 : vector<1x16xf32> to vector<16xf32>
        %add3A_188 = arith.addf %get3A_183, %get3A_187 : vector<16xf32>
        %swap3A_189 = arith.index_cast %scan3A_137 : i32 to index
        %swap3A_190 = arith.constant 48 : index
        %swap3A_191 = tpu.vector_load %arg9[%swap3A_189, %swap3A_190] {strides = array<i32>} : memref<128x128xf32, #tpu.memory_space<vmem>>, vector<1x16xf32>,
        %swap3A_192 = vector.shape_cast %swap3A_191 : vector<1x16xf32> to vector<16xf32>
        %swap3A_193 = vector.shape_cast %add3A_188 : vector<16xf32> to vector<1x16xf32>
        tpu.vector_store %arg9[%swap3A_189, %swap3A_190], %swap3A_193 {strides = array<i32>} : memref<128x128xf32, #tpu.memory_space<vmem>>, vector<1x16xf32>,
        %get3A_194 = arith.index_cast %scan3A_137 : i32 to index
        %get3A_195 = arith.constant 64 : index
        %get3A_196 = tpu.vector_load %arg9[%get3A_194, %get3A_195] {strides = array<i32>} : memref<128x128xf32, #tpu.memory_space<vmem>>, vector<1x16xf32>,
        %get3A_197 = vector.shape_cast %get3A_196 : vector<1x16xf32> to vector<16xf32>
        %get3A_198 = arith.index_cast %scan3A_137 : i32 to index
        %get3A_199 = arith.constant 64 : index
        %get3A_200 = tpu.vector_load %arg10[%get3A_198, %get3A_199] {strides = array<i32>} : memref<128x128xf32, #tpu.memory_space<vmem>>, vector<1x16xf32>,
        %get3A_201 = vector.shape_cast %get3A_200 : vector<1x16xf32> to vector<16xf32>
        %add3A_202 = arith.addf %get3A_197, %get3A_201 : vector<16xf32>
        %swap3A_203 = arith.index_cast %scan3A_137 : i32 to index
        %swap3A_204 = arith.constant 64 : index
        %swap3A_205 = tpu.vector_load %arg9[%swap3A_203, %swap3A_204] {strides = array<i32>} : memref<128x128xf32, #tpu.memory_space<vmem>>, vector<1x16xf32>,
        %swap3A_206 = vector.shape_cast %swap3A_205 : vector<1x16xf32> to vector<16xf32>
        %swap3A_207 = vector.shape_cast %add3A_202 : vector<16xf32> to vector<1x16xf32>
        tpu.vector_store %arg9[%swap3A_203, %swap3A_204], %swap3A_207 {strides = array<i32>} : memref<128x128xf32, #tpu.memory_space<vmem>>, vector<1x16xf32>,
        %get3A_208 = arith.index_cast %scan3A_137 : i32 to index
        %get3A_209 = arith.constant 80 : index
        %get3A_210 = tpu.vector_load %arg9[%get3A_208, %get3A_209] {strides = array<i32>} : memref<128x128xf32, #tpu.memory_space<vmem>>, vector<1x16xf32>,
        %get3A_211 = vector.shape_cast %get3A_210 : vector<1x16xf32> to vector<16xf32>
        %get3A_212 = arith.index_cast %scan3A_137 : i32 to index
        %get3A_213 = arith.constant 80 : index
        %get3A_214 = tpu.vector_load %arg10[%get3A_212, %get3A_213] {strides = array<i32>} : memref<128x128xf32, #tpu.memory_space<vmem>>, vector<1x16xf32>,
        %get3A_215 = vector.shape_cast %get3A_214 : vector<1x16xf32> to vector<16xf32>
        %add3A_216 = arith.addf %get3A_211, %get3A_215 : vector<16xf32>
        %swap3A_217 = arith.index_cast %scan3A_137 : i32 to index
        %swap3A_218 = arith.constant 80 : index
        %swap3A_219 = tpu.vector_load %arg9[%swap3A_217, %swap3A_218] {strides = array<i32>} : memref<128x128xf32, #tpu.memory_space<vmem>>, vector<1x16xf32>,
        %swap3A_220 = vector.shape_cast %swap3A_219 : vector<1x16xf32> to vector<16xf32>
        %swap3A_221 = vector.shape_cast %add3A_216 : vector<16xf32> to vector<1x16xf32>
        tpu.vector_store %arg9[%swap3A_217, %swap3A_218], %swap3A_221 {strides = array<i32>} : memref<128x128xf32, #tpu.memory_space<vmem>>, vector<1x16xf32>,
        %get3A_222 = arith.index_cast %scan3A_137 : i32 to index
        %get3A_223 = arith.constant 96 : index
        %get3A_224 = tpu.vector_load %arg9[%get3A_222, %get3A_223] {strides = array<i32>} : memref<128x128xf32, #tpu.memory_space<vmem>>, vector<1x16xf32>,
        %get3A_225 = vector.shape_cast %get3A_224 : vector<1x16xf32> to vector<16xf32>
        %get3A_226 = arith.index_cast %scan3A_137 : i32 to index
        %get3A_227 = arith.constant 96 : index
        %get3A_228 = tpu.vector_load %arg10[%get3A_226, %get3A_227] {strides = array<i32>} : memref<128x128xf32, #tpu.memory_space<vmem>>, vector<1x16xf32>,
        %get3A_229 = vector.shape_cast %get3A_228 : vector<1x16xf32> to vector<16xf32>
        %add3A_230 = arith.addf %get3A_225, %get3A_229 : vector<16xf32>
        %swap3A_231 = arith.index_cast %scan3A_137 : i32 to index
        %swap3A_232 = arith.constant 96 : index
        %swap3A_233 = tpu.vector_load %arg9[%swap3A_231, %swap3A_232] {strides = array<i32>} : memref<128x128xf32, #tpu.memory_space<vmem>>, vector<1x16xf32>,
        %swap3A_234 = vector.shape_cast %swap3A_233 : vector<1x16xf32> to vector<16xf32>
        %swap3A_235 = vector.shape_cast %add3A_230 : vector<16xf32> to vector<1x16xf32>
        tpu.vector_store %arg9[%swap3A_231, %swap3A_232], %swap3A_235 {strides = array<i32>} : memref<128x128xf32, #tpu.memory_space<vmem>>, vector<1x16xf32>,
        %get3A_236 = arith.index_cast %scan3A_137 : i32 to index
        %get3A_237 = arith.constant 112 : index
        %get3A_238 = tpu.vector_load %arg9[%get3A_236, %get3A_237] {strides = array<i32>} : memref<128x128xf32, #tpu.memory_space<vmem>>, vector<1x16xf32>,
        %get3A_239 = vector.shape_cast %get3A_238 : vector<1x16xf32> to vector<16xf32>
        %get3A_240 = arith.index_cast %scan3A_137 : i32 to index
        %get3A_241 = arith.constant 112 : index
        %get3A_242 = tpu.vector_load %arg10[%get3A_240, %get3A_241] {strides = array<i32>} : memref<128x128xf32, #tpu.memory_space<vmem>>, vector<1x16xf32>,
        %get3A_243 = vector.shape_cast %get3A_242 : vector<1x16xf32> to vector<16xf32>
        %add3A_244 = arith.addf %get3A_239, %get3A_243 : vector<16xf32>
        %swap3A_245 = arith.index_cast %scan3A_137 : i32 to index
        %swap3A_246 = arith.constant 112 : index
        %swap3A_247 = tpu.vector_load %arg9[%swap3A_245, %swap3A_246] {strides = array<i32>} : memref<128x128xf32, #tpu.memory_space<vmem>>, vector<1x16xf32>,
        %swap3A_248 = vector.shape_cast %swap3A_247 : vector<1x16xf32> to vector<16xf32>
        %swap3A_249 = vector.shape_cast %add3A_244 : vector<16xf32> to vector<1x16xf32>
        tpu.vector_store %arg9[%swap3A_245, %swap3A_246], %swap3A_249 {strides = array<i32>} : memref<128x128xf32, #tpu.memory_space<vmem>>, vector<1x16xf32>,
      }
      %scan3A_136 = arith.constant 128 : i32
      "tpu.region"() ({
        %run_scoped3A = tpu.sem_alloc : memref<!tpu.dma_semaphore, #tpu.memory_space<semaphore_mem>>
        %dma_start3A_137 = arith.constant 0 : i32
        %dma_start3A_138 = tpu.memref_slice %arg5[%add3A_11, %dma_start3A_137] : memref<204800x128xf32, #tpu.memory_space<hbm>> -> memref<128x128xf32, #tpu.memory_space<hbm>>
        %dma_start3A_139 = arith.constant 0 : i32
        %dma_start3A_140 = tpu.memref_slice %arg5[%add3A_11, %dma_start3A_139] : memref<204800x128xf32, #tpu.memory_space<hbm>> -> memref<128x128xf32, #tpu.memory_space<hbm>>
        tpu.enqueue_dma source(%arg9 : memref<128x128xf32, #tpu.memory_space<vmem>>) target(%dma_start3A_140 : memref<128x128xf32, #tpu.memory_space<hbm>>) target_semaphore(%run_scoped3A : memref<!tpu.dma_semaphore, #tpu.memory_space<semaphore_mem>>)
        %dma_wait3A_141 = arith.constant 0 : i32
        %dma_wait3A_142 = tpu.memref_slice %arg5[%add3A_11, %dma_wait3A_141] : memref<204800x128xf32, #tpu.memory_space<hbm>> -> memref<128x128xf32, #tpu.memory_space<hbm>>
        %dma_wait3A_143 = arith.constant 0 : i32
        %dma_wait3A_144 = tpu.memref_slice %arg5[%add3A_11, %dma_wait3A_143] : memref<204800x128xf32, #tpu.memory_space<hbm>> -> memref<128x128xf32, #tpu.memory_space<hbm>>
        tpu.wait_dma2 semaphore(%run_scoped3A : memref<!tpu.dma_semaphore, #tpu.memory_space<semaphore_mem>>) src(%arg9 : memref<128x128xf32, #tpu.memory_space<vmem>>) dst(%dma_wait3A_144 : memref<128x128xf32, #tpu.memory_space<hbm>>)
        tpu.yield
      }) : () -> ()
    }
    %scan3A_7 = arith.constant 50 : i32
    return
  }
}

module attributes {stable_mosaic.version = 14 : i64} {
  func.func @_fold_body(%arg0: memref<1000x64xf32, #tpu.memory_space<vmem>>, %arg1: memref<1000x64xf32, #tpu.memory_space<vmem>>, %arg2: memref<128x128xf32, #tpu.memory_space<vmem>>, %arg3: memref<1x64xf32, #tpu.memory_space<vmem>>, %arg4: memref<1x64xf32, #tpu.memory_space<vmem>>, %arg5: memref<1x128xf32, #tpu.memory_space<vmem>>, %arg6: memref<1000x128xf32, #tpu.memory_space<vmem>>, %arg7: memref<1000x128xf32, #tpu.memory_space<vmem>>, %arg8: memref<1x128xf32, #tpu.memory_space<vmem>>) attributes {dimension_semantics = [], scalar_prefetch = 0 : i64, scratch_operands = 0 : i64, tpu.core_type = #tpu.core_type<tc>} {
    %get3A = arith.constant 0 : index
    %get3A_0 = arith.constant 0 : index
    %get3A_1 = vector.load %arg2[%get3A, %get3A_0] : memref<128x128xf32, #tpu.memory_space<vmem>>, vector<128x128xf32>
    %slice3A = vector.extract_strided_slice %get3A_1 {offsets = [0, 0], sizes = [128, 64], strides = [1, 1]} : vector<128x128xf32> to vector<128x64xf32>
    %slice3A_2 = vector.extract_strided_slice %get3A_1 {offsets = [0, 64], sizes = [128, 64], strides = [1, 1]} : vector<128x128xf32> to vector<128x64xf32>
    %get3A_3 = arith.constant 0 : index
    %get3A_4 = arith.constant 0 : index
    %get3A_5 = vector.load %arg4[%get3A_3, %get3A_4] : memref<1x64xf32, #tpu.memory_space<vmem>>, vector<1x64xf32>
    %dot_general3A = arith.constant dense<0.000000e+00> : vector<1x128xf32>
    %dot_general3A_6 = tpu.matmul %get3A_5, %slice3A_2, %dot_general3A {dimension_numbers = #tpu.dot_dimension_numbers<[1], [1], [0], [0], [0, 0, 1, 0], [], []>, transpose_lhs_hint = false} : vector<1x64xf32>, vector<128x64xf32>, vector<1x128xf32> -> vector<1x128xf32>
    %get3A_7 = arith.constant 0 : index
    %get3A_8 = arith.constant 0 : index
    %get3A_9 = vector.load %arg5[%get3A_7, %get3A_8] : memref<1x128xf32, #tpu.memory_space<vmem>>, vector<1x128xf32>
    %add3A = arith.addf %dot_general3A_6, %get3A_9 : vector<1x128xf32>
    %mul3A = arith.constant 5.000000e-01 : f32
    %mul3A_10 = vector.broadcast %mul3A : f32 to vector<1x128xf32>
    %mul3A_11 = arith.mulf %mul3A_10, %add3A : vector<1x128xf32>
    %get3A_12 = arith.constant 0 : index
    %get3A_13 = arith.constant 0 : index
    %get3A_14 = vector.load %arg0[%get3A_12, %get3A_13] : memref<1000x64xf32, #tpu.memory_space<vmem>>, vector<1000x64xf32>
    %dot_general3A_15 = arith.constant dense<0.000000e+00> : vector<1000x128xf32>
    %dot_general3A_16 = tpu.matmul %get3A_14, %slice3A, %dot_general3A_15 {dimension_numbers = #tpu.dot_dimension_numbers<[1], [1], [0], [0], [0, 0, 1, 0], [], []>, transpose_lhs_hint = false} : vector<1000x64xf32>, vector<128x64xf32>, vector<1000x128xf32> -> vector<1000x128xf32>
    %add3A_17 = vector.broadcast %mul3A_11 : vector<1x128xf32> to vector<1000x128xf32>
    %add3A_18 = arith.addf %dot_general3A_16, %add3A_17 : vector<1000x128xf32>
    %swap3A = arith.constant 0 : index
    %swap3A_19 = arith.constant 0 : index
    %swap3A_20 = vector.load %arg6[%swap3A, %swap3A_19] : memref<1000x128xf32, #tpu.memory_space<vmem>>, vector<1000x128xf32>
    tpu.vector_store %arg6[%swap3A, %swap3A_19], %add3A_18 {strides = array<i32>} : memref<1000x128xf32, #tpu.memory_space<vmem>>, vector<1000x128xf32>,
    %get3A_21 = arith.constant 0 : index
    %get3A_22 = arith.constant 0 : index
    %get3A_23 = vector.load %arg1[%get3A_21, %get3A_22] : memref<1000x64xf32, #tpu.memory_space<vmem>>, vector<1000x64xf32>
    %dot_general3A_24 = arith.constant dense<0.000000e+00> : vector<1000x128xf32>
    %dot_general3A_25 = tpu.matmul %get3A_23, %slice3A, %dot_general3A_24 {dimension_numbers = #tpu.dot_dimension_numbers<[1], [1], [0], [0], [0, 0, 1, 0], [], []>, transpose_lhs_hint = false} : vector<1000x64xf32>, vector<128x64xf32>, vector<1000x128xf32> -> vector<1000x128xf32>
    %add3A_26 = vector.broadcast %mul3A_11 : vector<1x128xf32> to vector<1000x128xf32>
    %add3A_27 = arith.addf %dot_general3A_25, %add3A_26 : vector<1000x128xf32>
    %swap3A_28 = arith.constant 0 : index
    %swap3A_29 = arith.constant 0 : index
    %swap3A_30 = vector.load %arg7[%swap3A_28, %swap3A_29] : memref<1000x128xf32, #tpu.memory_space<vmem>>, vector<1000x128xf32>
    tpu.vector_store %arg7[%swap3A_28, %swap3A_29], %add3A_27 {strides = array<i32>} : memref<1000x128xf32, #tpu.memory_space<vmem>>, vector<1000x128xf32>,
    %get3A_31 = arith.constant 0 : index
    %get3A_32 = arith.constant 0 : index
    %get3A_33 = vector.load %arg3[%get3A_31, %get3A_32] : memref<1x64xf32, #tpu.memory_space<vmem>>, vector<1x64xf32>
    %dot_general3A_34 = arith.constant dense<0.000000e+00> : vector<1x128xf32>
    %dot_general3A_35 = tpu.matmul %get3A_33, %slice3A_2, %dot_general3A_34 {dimension_numbers = #tpu.dot_dimension_numbers<[1], [1], [0], [0], [0, 0, 1, 0], [], []>, transpose_lhs_hint = false} : vector<1x64xf32>, vector<128x64xf32>, vector<1x128xf32> -> vector<1x128xf32>
    %swap3A_36 = arith.constant 0 : index
    %swap3A_37 = arith.constant 0 : index
    %swap3A_38 = vector.load %arg8[%swap3A_36, %swap3A_37] : memref<1x128xf32, #tpu.memory_space<vmem>>, vector<1x128xf32>
    tpu.vector_store %arg8[%swap3A_36, %swap3A_37], %dot_general3A_35 {strides = array<i32>} : memref<1x128xf32, #tpu.memory_space<vmem>>, vector<1x128xf32>,
    return
  }
}

module attributes {stable_mosaic.version = 14 : i64} {
  func.func @_norm_body(%arg0: i32, %arg1: memref<256x128xf32, #tpu.memory_space<vmem>>, %arg2: memref<256x1xf32, #tpu.memory_space<vmem>>, %arg3: memref<1x128xf32, #tpu.memory_space<vmem>>, %arg4: memref<1x128xf32, #tpu.memory_space<vmem>>, %arg5: memref<256x128xf32, #tpu.memory_space<vmem>>) attributes {dimension_semantics = [#tpu.dimension_semantics<arbitrary>], iteration_bounds = array<i64: 800>, scalar_prefetch = 0 : i64, scratch_operands = 0 : i64, tpu.core_type = #tpu.core_type<tc>, window_params = [{transform_indices = @transform_0, window_bounds = array<i64: 256, 128>}, {transform_indices = @transform_1, window_bounds = array<i64: 256, 1>}, {pipeline_mode = #tpu.pipeline_mode<synchronous>, transform_indices = @transform_2, window_bounds = array<i64: 1, 128>}, {pipeline_mode = #tpu.pipeline_mode<synchronous>, transform_indices = @transform_3, window_bounds = array<i64: 1, 128>}, {transform_indices = @transform_4, window_bounds = array<i64: 256, 128>}]} {
    %get3A = arith.constant 0 : index
    %get3A_0 = arith.constant 0 : index
    %get3A_1 = vector.load %arg1[%get3A, %get3A_0] : memref<256x128xf32, #tpu.memory_space<vmem>>, vector<256x128xf32>
    %get3A_2 = arith.constant 0 : index
    %get3A_3 = arith.constant 0 : index
    %get3A_4 = vector.load %arg2[%get3A_2, %get3A_3] : memref<256x1xf32, #tpu.memory_space<vmem>>, vector<256x1xf32>
    %get3A_5 = arith.constant 0 : index
    %get3A_6 = arith.constant 0 : index
    %get3A_7 = vector.load %arg3[%get3A_5, %get3A_6] : memref<1x128xf32, #tpu.memory_space<vmem>>, vector<1x128xf32>
    %mul3A = vector.broadcast %get3A_4 : vector<256x1xf32> to vector<256x128xf32>
    %mul3A_8 = vector.broadcast %get3A_7 : vector<1x128xf32> to vector<256x128xf32>
    %mul3A_9 = arith.mulf %mul3A, %mul3A_8 : vector<256x128xf32>
    %add3A = arith.addf %get3A_1, %mul3A_9 : vector<256x128xf32>
    %mul3A_10 = arith.mulf %add3A, %add3A : vector<256x128xf32>
    %reduce_sum3A = arith.constant dense<0.000000e+00> : vector<256xf32>
    %reduce_sum3A_11 = vector.multi_reduction <add>, %mul3A_10, %reduce_sum3A [1] : vector<256x128xf32> to vector<256xf32>
    %broadcast_in_dim3A = vector.shape_cast %reduce_sum3A_11 : vector<256xf32> to vector<256x1xf32>
    %div3A = arith.constant 1.280000e+02 : f32
    %div3A_12 = vector.broadcast %div3A : f32 to vector<256x1xf32>
    %div3A_13 = arith.divf %broadcast_in_dim3A, %div3A_12 : vector<256x1xf32>
    %add3A_14 = arith.constant 1.1920929E-7 : f32
    %add3A_15 = vector.broadcast %add3A_14 : f32 to vector<256x1xf32>
    %add3A_16 = arith.addf %div3A_13, %add3A_15 : vector<256x1xf32>
    %rsqrt3A = math.rsqrt %add3A_16 : vector<256x1xf32>
    %mul3A_17 = vector.broadcast %rsqrt3A : vector<256x1xf32> to vector<256x128xf32>
    %mul3A_18 = arith.mulf %add3A, %mul3A_17 : vector<256x128xf32>
    %get3A_19 = arith.constant 0 : index
    %get3A_20 = arith.constant 0 : index
    %get3A_21 = vector.load %arg4[%get3A_19, %get3A_20] : memref<1x128xf32, #tpu.memory_space<vmem>>, vector<1x128xf32>
    %mul3A_22 = vector.broadcast %get3A_21 : vector<1x128xf32> to vector<256x128xf32>
    %mul3A_23 = arith.mulf %mul3A_18, %mul3A_22 : vector<256x128xf32>
    %swap3A = arith.constant 0 : index
    %swap3A_24 = arith.constant 0 : index
    %swap3A_25 = vector.load %arg5[%swap3A, %swap3A_24] : memref<256x128xf32, #tpu.memory_space<vmem>>, vector<256x128xf32>
    tpu.vector_store %arg5[%swap3A, %swap3A_24], %mul3A_23 {strides = array<i32>} : memref<256x128xf32, #tpu.memory_space<vmem>>, vector<256x128xf32>,
    return
  }
  func.func @transform_0(%arg0: i32) -> (i32, i32) {
    %c0_i32 = arith.constant 0 : i32
    %c0_i32_0 = arith.constant 0 : i32
    return %arg0, %c0_i32 : i32, i32
  }
  func.func @transform_1(%arg0: i32) -> (i32, i32) {
    %c0_i32 = arith.constant 0 : i32
    %c0_i32_0 = arith.constant 0 : i32
    return %arg0, %c0_i32 : i32, i32
  }
  func.func @transform_2(%arg0: i32) -> (i32, i32) {
    %c0_i32 = arith.constant 0 : i32
    %c0_i32_0 = arith.constant 0 : i32
    %c0_i32_1 = arith.constant 0 : i32
    return %c0_i32, %c0_i32_0 : i32, i32
  }
  func.func @transform_3(%arg0: i32) -> (i32, i32) {
    %c0_i32 = arith.constant 0 : i32
    %c0_i32_0 = arith.constant 0 : i32
    %c0_i32_1 = arith.constant 0 : i32
    return %c0_i32, %c0_i32_0 : i32, i32
  }
  func.func @transform_4(%arg0: i32) -> (i32, i32) {
    %c0_i32 = arith.constant 0 : i32
    %c0_i32_0 = arith.constant 0 : i32
    return %arg0, %c0_i32 : i32, i32
  }
}

</mosaic_0001>

<sc_bundles>
// kernel: kernel.5.cloned.1.call-start
scs
__scs_entry_jumppad:
0x0: {  	(pc) =	sbr.rel $0x88, $3  }
0x1: {  	(tag) =	ssettag $0x0;
	lr =	simm.s32 $0x1  }
0x2: {  	[smem:$0x3F98] =	sst lr;
	_ =	strace $0xD0000000  }
0x3: {  	_ = 	snop  }
0x4: {  	_ = 	snop  }
0x5: {  	_ = 	snop  }
0x6: {  	_ = 	snop  }
0x7: {  	_ = 	snop  }
__scs_overlays_trampoline_lowered:
0x8: {  	[smem:$0x3FA7] =	sst s0  }
0x9: {  	[smem:$0x3FA8] =	sst s1  }
0xa: {  	[smem:$0x3FA9] =	sst s2  }
0xb: {  	[smem:$0x3FAA] =	sst s3  }
0xc: {  	[smem:$0x3FAB] =	sst s4  }
0xd: {  	[smem:$0x3FAC] =	sst s5  }
0xe: {  	[smem:$0x3FAD] =	sst s6  }
0xf: {  	[smem:$0x3FAE] =	sst s7  }
0x10: {  	[smem:$0x3FAF] =	sst s8  }
0x11: {  	[smem:$0x3FB0] =	sst s9;
	s0 =	simm.s32 @!p0 $0x0  }
0x12: {  	s1 =	sld [smem:$0x3F96];
	s0 =	simm.s32 @p0 $0x1  }
0x13: {  	[smem:$0x3FB1] =	sst s0;
	s0 =	simm.s32 @!p1 $0x0  }
0x14: {  	s2 =	sld [smem:$0x3F95];
	s0 =	simm.s32 @p1 $0x1  }
0x15: {  	[smem:$0x3FB2] =	sst s0;
	s0 =	simm.s32 @!p2 $0x0  }
0x16: {  	s3 =	sld [smem:$0x3FDB];
	s0 =	simm.s32 @p2 $0x1  }
0x17: {  	s4 =	simm.s32 $0x1BF5;
	[smem:$0x3FB4] =	sst s0  }
0x18: {  	s0 =	sld [smem:$0x3F97];
	_ =	swait.ge [sflag:s4], $0x0  }
0x19: {  	s7 =	sld [smem:$0x3F98]  }
0x1a: {  	s8 =	sadd.s32 $0xFFFFE003, lr  }
0x1b: {  	s9 =	sadd.s32 $0xFFFFFEF7, lr;
	s5 =	simm.s32 $0xFFFFFFFF;
	p2 =	slt.u32 s8, $0xFFFFF086  }
0x1c: {  	p1 =	slt.u32 s9, $0xF7A;
	s5 =	simm.s32 @!p2 $0x0  }
0x1d: {  	s5 =	simm.s32 @p1 $0x1;
	p0 =	seq.s32 s7, s2  }
0x1e: {  	s7 =	smul.u32 @!p0 $0xF7A, s2;
	p2 =	seq.s32 @!p0 s5, $0x0  }
0x1f: {  	s9 =	smul.u32 $0xF7A, s1;
	s8 =	simm.s32 @!p0 $0x1BF5;
	p2 =	por !p2, p0  }
0x20: {  	[sflag:s8] =	ssyncset.s32 @!p0 $0xFFFFF086;
	s6 =	sadd.s32 @!p0 s3, s7;
	s7 =	simm.s32 @!p0 $0x108  }
0x21: {  	s3 =	sadd.s32 s3, s9;
	s6 =	sadd.s32 @!p0 $0x88, s6;
	s7 =	simm.s32 @p2 $0x1082  }
0x22: {  	[simem:s7], [sflag:s8] =	dma.local @!p0 [hbm:s6], $0xF7A  }
0x23: {  	s9 =	sor.u32 $0xD0000000, s2;
	s6 =	simm.s32 $0x108;
	_ =	swait.ge @!p0 [sflag:s8], $0x0  }
0x24: {  	s3 =	sadd.s32 $0x88, s3;
	s6 =	simm.s32 @!p1 $0x1082;
	[sflag:s4] =	ssyncset.s32 $0xFFFFF086  }
0x25: {  	[simem:s6], [sflag:s4] =	dma.local [hbm:s3], $0xF7A  }
0x26: {  	[smem:$0x3F98] =	sst s1;
	(tag) =	ssettag s2;
	_ =	strace s9  }
0x27: {  	s1 =	sld [smem:$0x3FA8]  }
0x28: {  	s2 =	sld [smem:$0x3FA9]  }
0x29: {  	s4 =	sld [smem:$0x3FAB]  }
0x2a: {  	p0 =	seq.s32 s5, $0x0;
	s5 =	sld [smem:$0x3FAC]  }
0x2b: {  	s6 =	sld [smem:$0x3FAD]  }
0x2c: {  	s7 =	sld [smem:$0x3FAE]  }
0x2d: {  	s3 =	simm.s32 $0x108;
	s8 =	sld [smem:$0x3FAF]  }
0x2e: {  	s3 =	simm.s32 @!p0 $0x1082;
	s9 =	sld [smem:$0x3FB0]  }
0x2f: {  	lr =	sadd.s32 s0, s3;
	s0 =	sld [smem:$0x3FA7]  }
0x30: {  	s3 =	sld [smem:$0x3FAA]  }
0x31: {  	[smem:$0x3FB3] =	sst s10  }
0x32: {  	s10 =	sld [smem:$0x3FB1];
	_ =	sdelay $0x3  }
0x33: {  	p0 =	seq.s32 s10, $0x1;
	s10 =	sld [smem:$0x3FB3];
	_ =	sdelay $0x3  }
0x34: {  	[smem:$0x3FB3] =	sst s10  }
0x35: {  	s10 =	sld [smem:$0x3FB2];
	_ =	sdelay $0x3  }
0x36: {  	p1 =	seq.s32 s10, $0x1;
	s10 =	sld [smem:$0x3FB3];
	_ =	sdelay $0x3  }
0x37: {  	[smem:$0x3FB3] =	sst s10  }
0x38: {  	s10 =	sld [smem:$0x3FB4]  }
0x39: {  	_ = 	snop;
	(pc) =	sbr.ind lr, $3  }
0x3a: {  	_ = 	snop  }
0x3b: {  	_ = 	snop  }
0x3c: {  	p2 =	seq.s32 s10, $0x1;
	s10 =	sld [smem:$0x3FB3]  }
0x3d: {  	_ =	shalt  }
0x3e: {  	_ =	shalt  }
0x3f: {  	_ =	shalt  }
0x40: {  	_ =	shalt  }
0x41: {  	_ =	shalt  }
0x42: {  	_ =	shalt  }
0x43: {  	_ =	shalt  }
0x44: {  	_ =	shalt  }
0x45: {  	_ =	shalt  }
0x46: {  	_ =	shalt  }
0x47: {  	_ =	shalt  }
0x48: {  	_ =	shalt  }
0x49: {  	_ =	shalt  }
0x4a: {  	_ =	shalt  }
0x4b: {  	_ =	shalt  }
0x4c: {  	_ =	shalt  }
0x4d: {  	_ =	shalt  }
0x4e: {  	_ =	shalt  }
0x4f: {  	_ =	shalt  }
0x50: {  	_ =	shalt  }
0x51: {  	_ =	shalt  }
0x52: {  	_ =	shalt  }
0x53: {  	_ =	shalt  }
0x54: {  	_ =	shalt  }
0x55: {  	_ =	shalt  }
0x56: {  	_ =	shalt  }
0x57: {  	_ =	shalt  }
0x58: {  	_ =	shalt  }
0x59: {  	_ =	shalt  }
0x5a: {  	_ =	shalt  }
0x5b: {  	_ =	shalt  }
0x5c: {  	_ =	shalt  }
0x5d: {  	_ =	shalt  }
0x5e: {  	_ =	shalt  }
0x5f: {  	_ =	shalt  }
0x60: {  	_ =	shalt  }
0x61: {  	_ =	shalt  }
0x62: {  	_ =	shalt  }
0x63: {  	_ =	shalt  }
0x64: {  	_ =	shalt  }
0x65: {  	_ =	shalt  }
0x66: {  	_ =	shalt  }
0x67: {  	_ =	shalt  }
0x68: {  	_ =	shalt  }
0x69: {  	_ =	shalt  }
0x6a: {  	_ =	shalt  }
0x6b: {  	_ =	shalt  }
0x6c: {  	_ =	shalt  }
0x6d: {  	_ =	shalt  }
0x6e: {  	_ =	shalt  }
0x6f: {  	_ =	shalt  }
0x70: {  	_ =	shalt  }
0x71: {  	_ =	shalt  }
0x72: {  	_ =	shalt  }
0x73: {  	_ =	shalt  }
0x74: {  	_ =	shalt  }
0x75: {  	_ =	shalt  }
0x76: {  	_ =	shalt  }
0x77: {  	_ =	shalt  }
0x78: {  	_ =	shalt  }
0x79: {  	_ =	shalt  }
0x7a: {  	_ =	shalt  }
0x7b: {  	_ =	shalt  }
0x7c: {  	_ =	shalt  }
0x7d: {  	_ =	shalt  }
0x7e: {  	_ =	shalt  }
0x7f: {  	_ =	shalt  }
0x80: {  	_ =	shalt  }
0x81: {  	_ =	shalt  }
0x82: {  	_ =	shalt  }
0x83: {  	_ =	shalt  }
0x84: {  	_ =	shalt  }
0x85: {  	_ =	shalt  }
0x86: {  	_ =	shalt  }
0x87: {  	_ =	shalt  }
.Lfunc_end0:
.L_simem_size_0:
called_computation_lowered:
.L_overlay_start_0:
0x88: {  	s2 =	sld [smem:$0x3FD9]  }
0x89: {  	s3 =	sld [smem:$0x3FFE];
	_ =	sdelay $0x1  }
0x8a: {  	s1 =	srdreg.scid  }
0x8b: {  	s0 =	sand.u32 $0x1, s1  }
0x8c: {  	s17 =	sshll.u32 s0, $0xA;
	s2 =	sadd.s32 s3, s2  }
0x8d: {  	s2 =	sadd.s32 s2, s17  }
0x8e: {  	[smem:$0x3FBF] =	sst s2  }
0x8f: {  	_ = 	snop  }
0x90: {  	s2 =	sld [smem:$0x3FD0];
	(tm) =	ssettm $0x1  }
0x91: {  	s18 =	sld [smem:$0x3FFB];
	_ =	sdelay $0x3  }
0x92: {  	_ =	strace s18  }
0x93: {  	s3 =	sld [smem:$0x3FFC];
	_ =	sdelay $0x3  }
0x94: {  	_ =	strace s3  }
0x95: {  	s3 =	sld [smem:$0x3FFD];
	_ =	sdelay $0x3  }
0x96: {  	_ =	strace s3  }
0x97: {  	_ =	strace $0x8FFFFFFF  }
0x98: {  	s19 =	sld [smem:$0x3FDB];
	_ =	sdelay $0x1  }
0x99: {  	s4 =	simm.s32 $_scs_section_size  }
0x9a: {  	s5 =	simm.s32 $_size__tile_overlayer_lowered;
	s6 =	simm.s32 $_tile_overlayer_lowered  }
0x9b: {  	s22 =	simm.s32 $0x1BFF;
	s21 =	sshll.u32 s6, $0x1;
	s3 =	sadd.s32 s4, s19  }
0x9c: {  	s7 =	simm.s32 $0x0;
	s20 =	sshll.u32 s5, $0x1;
	s5 =	sadd.s32 s21, s3  }
0x9d: {  	[timem:s7], [sflag:s22] =	dma.local [hbm:s5], s20  }
0x9e: {  	_ =	swait.ge [sflag:s22], s20  }
0x9f: {  	s4 =	ssub.s32 $0x0, s20;
	[sflag:s22] =	ssyncset.done $0x0  }
0xa0: {  	[sflag:s22] =	ssyncadd.s32 s4;
	_ =	sdelay $0x1  }
0xa1: {  	s23 =	simm.s32 $0x1B8B  }
0xa2: {  	_ =	swait.ge [sflag:s23], $0x1  }
0xa3: {  	[sflag:s23] =	ssyncset.done $0x0  }
0xa4: {  	s25 =	simm.s32 $0x1B8E;
	s24 =	sld [smem:$0x3FFE];
	[sflag:s23] =	ssyncadd.s32 $0xFFFFFFFF  }
0xa5: {  	s26 =	simm.s32 $execute0_lowered;
	[smem:$0x3FD2] =	sst s25  }
0xa6: {  	s5 =	sshll.u32 s26, $0x1;
	_ =	strace $0x80000046;
	[dreg:$0x1] =	wrdreg $0xFFFFFFFF  }
0xa7: {  	s28 =	simm.s32 $_size_execute0_lowered;
	s3 =	sadd.s32 s3, s5;
	[dreg:$0x0] =	wrdreg $0x0  }
0xa8: {  	s5 =	sshll.u32 s28, $0x1;
	[dreg:$0x2] =	wrdreg s3  }
0xa9: {  	[dreg:$0x3] =	wrdreg s5  }
0xaa: {  	[dreg:$0x4] =	wrdreg $0xC0  }
0xab: {  	_ =	task [dreg:s7], $0x5FFFF  }
0xac: {  	[dreg:$0x1] =	wrdreg $0xFFFFFFFF  }
0xad: {  	[dreg:$0x0] =	wrdreg $0x60  }
0xae: {  	[dreg:$0x2] =	wrdreg s2  }
0xaf: {  	[dreg:$0x3] =	wrdreg s24  }
0xb0: {  	[dreg:$0x4] =	wrdreg $0x9  }
0xb1: {  	_ =	task.clear_ibuf [dreg:s7], $0x5FFFF;
	_ =	strace $0x90000046  }
0xb2: {  	s29 =	simm.s32 $0x9;
	_ =	strace $0x80000048  }
0xb3: {  	_ =	swait.ge [sflag:s29], $0x1  }
0xb4: {  	[sflag:s29] =	ssyncadd.s32 $0xFFFFFFFF  }
0xb5: {  	_ =	strace $0x90000048  }
0xb6: {  	_ =	sfence  }
0xb7: {  	s30 =	sld [smem:$0x0];
	_ =	sdelay $0x2  }
0xb8: {  	s31 =	sshll.u32 s1, $0xD;
	s1 =	sshrl.u32 s1, $0x2  }
0xb9: {  	s3 =	sand.u32 $0x4000, s31;
	s1 =	sadd.s32 s1, s30  }
0xba: {  	s0 =	sor.u32 s3, s0;
	s1 =	sshll.u32 s1, $0x11  }
0xbb: {  	s0 =	sor.u32 s1, s0  }
0xbc: {  	s0 =	sadd.s32 $0x8F2B, s0  }
0xbd: {  	[sflag:s0] =	ssyncadd.remote.s32 $0x1  }
0xbe: {  	_ =	sfence.sel $0xFFFF  }
0xbf: {  	[dreg:$0x0] =	wrdreg $0xFFFFFFFF;
	(pc) =	sbr.abs _section_cstart, $3  }
0xc0: {  	[dreg:$0x1] =	wrdreg $0xFFFFFFFF  }
0xc1: {  	_ =	task.clear_ibuf [dreg:s7], $0x2FFFF;
	_ =	strace $0x9FFFFFFF  }
0xc2: {  	(tm) =	ssettm $0x7FFFFFFF  }
0xc3: {  	_ =	shalt  }
tec
execute0_lowered:
.L_overlay_start_1:
0x0: {  	(tag) =	ssettag $0x1  }
0x1: {  	s0 =	rddreg [dreg:$0x1];
	s1 =	simm.s32 $0x0;
	s28 =	srdreg.scid  }
0x2: {  	v0 =	vimm.s32 $0xECA86420;
	s3 =	stileid.u32;
	[smem:$0x7FF] =	sst s1  }
0x3: {  	vm0 =	vcmask $0xB08;
	vm1 =	vcmask $0x1310;
	vm2 =	vcmask $0x1B18;
	s1 =	sand.u32 $0x1, s28;
	s2 =	sadd.s32 $0x1600, s0;
	s3 =	sshll.u32 s3, $0x1  }
0x4: {  	vm3 =	vcmask $0x300;
	vm4 =	vcmask $0x2320;
	s4 =	sadd.s32 $0x5600, s0;
	s0 =	sadd.s32 $0x9600, s0;
	_ =	strace $0x80000047  }
0x5: {  	vm5 =	vcmask $0x2B28;
	vm6 =	vcmask $0x3330;
	vm7 =	vcmask $0x3B38;
	[dreg:$0x3] =	wrdreg s2;
	s29 =	ssub.s32 $0x2, s1;
	s1 =	sor.u32 s1, s3  }
0x6: {  	v1 =	vlaneseq.u32;
	vm8 =	vmmov $0xff;
	vm9 =	vcmask $0x704;
	[dreg:$0x4] =	wrdreg s4;
	s30 =	sshrl.u32 s29, $0x1;
	s1 =	smul.u32 $0x1900, s1  }
0x7: {  	vm10 =	vcmask $0xF0C;
	vm11 =	vcmask $0x1714;
	v0 =	vunpack.c.l.s4.s8 v0;
	[dreg:$0x5] =	wrdreg s0;
	s31 =	ssub.s32 s29, s30  }
0x8: {  	vm12 =	vcmask $0x1F1C;
	vm13 =	vcmask $0x2724;
	vm14 =	vcmask $0x2F2C;
	[dreg:$0x6] =	wrdreg s1;
	s0 =	smax.u32 s31, $0x1  }
0x9: {  	vm15 =	vcmask $0x3734;
	v1 =	vmul.u32 $0x2, v1;
	s2 =	simm.s32 $0x3;
	v0 =	vunpack.c.0.s8.s32 v0;
	s1 =	simm.s32 $0x0;
	[dreg:$0x7] =	wrdreg s0  }
.LBB2_1:
0xa: {  	[dreg:$0x8] =	wrdreg s1;
	s0 =	simm.s32 $0x0  }
.LBB2_2:
0xb: {  	[dreg:$0x9] =	wrdreg s0  }
0xc: {  	s24 =	sshll.u32 s0, $0x7;
	s1 =	rddreg [dreg:$0x6]  }
0xd: {  	s25 =	rddreg [dreg:$0x0];
	s0 =	sadd.s32 s1, s24  }
0xe: {  	[dreg:$0xa] =	wrdreg s0;
	s0 =	sshrl.u32 s0, $0x3  }
0xf: {  	s26 =	simm.s32 $0x0;
	s0 =	sadd.s32 s25, s0  }
0x10: {  	[tilespmem:s26], [sflag:$0x3] =	stream.linear.gather [hbm4b:s0+s26], $0x80, $0x38;
	[tilespmem:$0x8180] =	vst v63  }
0x11: {  	_ =	swait.ge [sflag:s2], $0x80  }
0x12: {  	[sflag:s2] =	ssyncset.done $0x0  }
0x13: {  	[sflag:s2] =	ssyncadd.s32 $0xFFFFFF80  }
0x14: {  	v2 =	vld [tilespmem:$0x0];
	_ =	sdelay $0x4  }
0x15: {  	(v2sf) =	vpush v2, $0xD;
	_ =	sdelay $0x1  }
0x16: {  	(v2sf) =	vpush v2, $0xC;
	_ =	sdelay $0x1  }
0x17: {  	(v2sf) =	vpush v2, $0xE;
	_ =	sdelay $0x1  }
0x18: {  	(v2sf) =	vpush v2, $0xF;
	_ =	sdelay $0x1  }
0x19: {  	(v2sf) =	vpush v2, $0x9;
	_ =	sdelay $0x1  }
0x1a: {  	(v2sf) =	vpush v2, $0x8;
	_ =	sdelay $0x1  }
0x1b: {  	(v2sf) =	vpush v2, $0xA;
	_ =	sdelay $0x1  }
0x1c: {  	(v2sf) =	vpush v2, $0xB  }
0x1d: {  	s28 =	spop (v2sf)  }
0x1e: {  	(v2sf) =	vpush v2, $0x0;
	s29 =	smulhi.u32 $0x10624DD3, s28;
	s0 =	sshra.s32 s28, $0x1F  }
0x1f: {  	s30 =	spop (v2sf);
	s14 =	smul.u32 $0x10624DD3, s0  }
0x20: {  	(v2sf) =	vpush v2, $0x1;
	s13 =	smulhi.u32 $0x10624DD3, s30;
	s0 =	sshra.s32 s30, $0x1F  }
0x21: {  	s31 =	spop (v2sf);
	s16 =	smul.u32 $0x10624DD3, s0  }
0x22: {  	(v2sf) =	vpush v2, $0x2;
	s15 =	smulhi.u32 $0x10624DD3, s31;
	s0 =	sshra.s32 s31, $0x1F  }
0x23: {  	s1 =	spop (v2sf);
	s18 =	smul.u32 $0x10624DD3, s0  }
0x24: {  	(v2sf) =	vpush v2, $0x3;
	s17 =	smulhi.u32 $0x10624DD3, s1;
	s0 =	sshra.s32 s1, $0x1F  }
0x25: {  	s2 =	spop (v2sf);
	s20 =	smul.u32 $0x10624DD3, s0  }
0x26: {  	(v2sf) =	vpush v2, $0x4;
	s19 =	smulhi.u32 $0x10624DD3, s2;
	s0 =	sshra.s32 s2, $0x1F  }
0x27: {  	s3 =	spop (v2sf);
	(v2sf) =	vpush v2, $0x5;
	s22 =	smul.u32 $0x10624DD3, s0  }
0x28: {  	v3 =	vld [tilespmem:$0x10];
	s21 =	smulhi.u32 $0x10624DD3, s3;
	s0 =	sshra.s32 s3, $0x1F  }
0x29: {  	s4 =	spop (v2sf);
	s23 =	smul.u32 $0x10624DD3, s0  }
0x2a: {  	(v2sf) =	vpush v2, $0x6;
	s24 =	smulhi.u32 $0x10624DD3, s4;
	s0 =	sshra.s32 s4, $0x1F  }
0x2b: {  	s5 =	spop (v2sf);
	(v2sf) =	vpush v2, $0x7;
	s28 =	smul.u32 $0x10624DD3, s0  }
0x2c: {  	s25 =	smulhi.u32 $0x10624DD3, s5;
	s0 =	sshra.s32 s5, $0x1F  }
0x2d: {  	s30 =	smul.u32 $0x10624DD3, s0;
	s6 =	spop (v2sf);
	(v2sf) =	vpush v3, $0xD  }
0x2e: {  	s26 =	smulhi.u32 $0x10624DD3, s6;
	s0 =	sshra.s32 s6, $0x1F  }
0x2f: {  	s7 =	spop (v2sf);
	s10 =	smul.u32 $0x10624DD3, s0  }
0x30: {  	[smem:$0x709] =	sst s29;
	(v2sf) =	vpush v3, $0xC;
	s29 =	smulhi.u32 $0x10624DD3, s7;
	s0 =	sshra.s32 s7, $0x1F  }
0x31: {  	s8 =	spop (v2sf);
	s2 =	smul.u32 $0x10624DD3, s0  }
0x32: {  	s31 =	smulhi.u32 $0x10624DD3, s8;
	s0 =	sshra.s32 s8, $0x1F  }
0x33: {  	(v2sf) =	vpush v3, $0xE;
	s9 =	spop (v2sf);
	s8 =	smul.u32 $0x10624DD3, s0  }
0x34: {  	s11 =	smulhi.u32 $0x10624DD3, s9;
	s0 =	sshra.s32 s9, $0x1F  }
0x35: {  	s12 =	spop (v2sf);
	s6 =	smul.u32 $0x10624DD3, s0  }
0x36: {  	(v2sf) =	vpush v3, $0xF;
	s3 =	smulhi.u32 $0x10624DD3, s12;
	s0 =	sshra.s32 s12, $0x1F;
	s4 =	spop (v2sf)  }
0x37: {  	[smem:$0x70A] =	sst s11;
	s1 =	smul.u32 $0x10624DD3, s0  }
0x38: {  	s0 =	sshra.s32 s4, $0x1F;
	[smem:$0x70B] =	sst s3;
	s3 =	smulhi.u32 $0x10624DD3, s4  }
0x39: {  	(v2sf) =	vpush v3, $0x9;
	s5 =	spop (v2sf);
	s7 =	smul.u32 $0x10624DD3, s0  }
0x3a: {  	s9 =	smulhi.u32 $0x10624DD3, s5;
	s11 =	spop (v2sf)  }
0x3b: {  	s0 =	sshra.s32 s5, $0x1F;
	s4 =	smulhi.u32 $0x10624DD3, s11;
	[smem:$0x70C] =	sst s3  }
0x3c: {  	(v2sf) =	vpush v3, $0x8;
	s3 =	smul.u32 $0x10624DD3, s0;
	s0 =	sshra.s32 s11, $0x1F;
	s12 =	spop (v2sf)  }
0x3d: {  	s5 =	smul.u32 $0x10624DD3, s0;
	s0 =	sshra.s32 s12, $0x1F  }
0x3e: {  	(v2sf) =	vpush v3, $0xA;
	[smem:$0x70D] =	sst s9;
	s0 =	smul.u32 $0x10624DD3, s0  }
0x3f: {  	s9 =	smulhi.u32 $0x10624DD3, s12;
	s11 =	spop (v2sf)  }
0x40: {  	(v2sf) =	vpush v3, $0xB;
	s12 =	smulhi.u32 $0x10624DD3, s11;
	[smem:$0x710] =	sst s0;
	s0 =	sshra.s32 s11, $0x1F  }
0x41: {  	s0 =	smul.u32 $0x10624DD3, s0  }
0x42: {  	(v2sf) =	vpush v3, $0x0;
	[smem:$0x70F] =	sst s9;
	s9 =	spop (v2sf)  }
0x43: {  	[smem:$0x712] =	sst s0;
	s0 =	sshra.s32 s9, $0x1F  }
0x44: {  	[smem:$0x711] =	sst s12;
	s0 =	smul.u32 $0x10624DD3, s0  }
0x45: {  	(v2sf) =	vpush v3, $0x1;
	s11 =	smulhi.u32 $0x10624DD3, s9;
	s12 =	spop (v2sf)  }
0x46: {  	[smem:$0x714] =	sst s0;
	s0 =	sshra.s32 s12, $0x1F  }
0x47: {  	[smem:$0x713] =	sst s11;
	s0 =	smul.u32 $0x10624DD3, s0  }
0x48: {  	(v2sf) =	vpush v3, $0x2;
	s11 =	spop (v2sf);
	s9 =	smulhi.u32 $0x10624DD3, s12  }
0x49: {  	s12 =	smulhi.u32 $0x10624DD3, s11;
	[smem:$0x716] =	sst s0;
	s0 =	sshra.s32 s11, $0x1F  }
0x4a: {  	(v2sf) =	vpush v3, $0x3;
	[smem:$0x715] =	sst s9;
	s0 =	smul.u32 $0x10624DD3, s0  }
0x4b: {  	s9 =	spop (v2sf);
	[smem:$0x717] =	sst s12  }
0x4c: {  	s11 =	smulhi.u32 $0x10624DD3, s9;
	[smem:$0x718] =	sst s0;
	s0 =	sshra.s32 s9, $0x1F  }
0x4d: {  	(v2sf) =	vpush v3, $0x4;
	s12 =	spop (v2sf);
	s0 =	smul.u32 $0x10624DD3, s0  }
0x4e: {  	[smem:$0x719] =	sst s11;
	s9 =	smulhi.u32 $0x10624DD3, s12  }
0x4f: {  	s11 =	spop (v2sf);
	[smem:$0x71A] =	sst s0;
	s0 =	sshra.s32 s12, $0x1F  }
0x50: {  	[smem:$0x71B] =	sst s9;
	s0 =	smul.u32 $0x10624DD3, s0  }
0x51: {  	(v2sf) =	vpush v3, $0x5;
	s9 =	spop (v2sf);
	s12 =	smulhi.u32 $0x10624DD3, s11  }
0x52: {  	[smem:$0x71C] =	sst s0;
	s0 =	sshra.s32 s11, $0x1F;
	s11 =	smulhi.u32 $0x10624DD3, s9  }
0x53: {  	[smem:$0x71D] =	sst s12;
	s0 =	smul.u32 $0x10624DD3, s0  }
0x54: {  	s12 =	spop (v2sf);
	[smem:$0x71F] =	sst s11  }
0x55: {  	(v2sf) =	vpush v3, $0x6;
	s11 =	smulhi.u32 $0x10624DD3, s12;
	[smem:$0x71E] =	sst s0;
	s0 =	sshra.s32 s9, $0x1F  }
0x56: {  	s9 =	smul.u32 $0x10624DD3, s0;
	s0 =	sshra.s32 s12, $0x1F  }
0x57: {  	s12 =	spop (v2sf);
	s0 =	smul.u32 $0x10624DD3, s0  }
0x58: {  	v4 =	vld [tilespmem:$0x20];
	[smem:$0x720] =	sst s11;
	s11 =	smulhi.u32 $0x10624DD3, s12  }
0x59: {  	(v2sf) =	vpush v3, $0x7;
	[smem:$0x721] =	sst s0;
	s0 =	sshra.s32 s12, $0x1F;
	s12 =	spop (v2sf)  }
0x5a: {  	[smem:$0x722] =	sst s11;
	s11 =	smulhi.u32 $0x10624DD3, s12  }
0x5b: {  	[smem:$0x70E] =	sst s4;
	s4 =	smul.u32 $0x10624DD3, s0  }
0x5c: {  	[smem:$0x723] =	sst s11;
	s11 =	spop (v2sf)  }
0x5d: {  	(v2sf) =	vpush v4, $0xD;
	s0 =	sshra.s32 s12, $0x1F;
	s12 =	smulhi.u32 $0x10624DD3, s11;
	s11 =	sshra.s32 s11, $0x1F  }
0x5e: {  	s11 =	smul.u32 $0x10624DD3, s11;
	_ =	sdelay $0x1  }
0x5f: {  	[smem:$0x725] =	sst s11;
	s11 =	spop (v2sf)  }
0x60: {  	(v2sf) =	vpush v4, $0xC;
	[smem:$0x724] =	sst s12;
	s12 =	smulhi.u32 $0x10624DD3, s11;
	s11 =	sshra.s32 s11, $0x1F  }
0x61: {  	s11 =	smul.u32 $0x10624DD3, s11;
	_ =	sdelay $0x1  }
0x62: {  	[smem:$0x727] =	sst s11;
	s11 =	spop (v2sf)  }
0x63: {  	(v2sf) =	vpush v4, $0xE;
	[smem:$0x726] =	sst s12;
	s12 =	smulhi.u32 $0x10624DD3, s11;
	s11 =	sshra.s32 s11, $0x1F  }
0x64: {  	s11 =	smul.u32 $0x10624DD3, s11;
	_ =	sdelay $0x1  }
0x65: {  	[smem:$0x729] =	sst s11;
	s11 =	spop (v2sf)  }
0x66: {  	(v2sf) =	vpush v4, $0xF;
	[smem:$0x728] =	sst s12;
	s12 =	smulhi.u32 $0x10624DD3, s11;
	s11 =	sshra.s32 s11, $0x1F  }
0x67: {  	s11 =	smul.u32 $0x10624DD3, s11;
	_ =	sdelay $0x1  }
0x68: {  	[smem:$0x72B] =	sst s11;
	s11 =	spop (v2sf)  }
0x69: {  	(v2sf) =	vpush v4, $0x9;
	[smem:$0x72A] =	sst s12;
	s12 =	smulhi.u32 $0x10624DD3, s11;
	s11 =	sshra.s32 s11, $0x1F  }
0x6a: {  	s11 =	smul.u32 $0x10624DD3, s11;
	_ =	sdelay $0x1  }
0x6b: {  	[smem:$0x72D] =	sst s11;
	s11 =	spop (v2sf)  }
0x6c: {  	(v2sf) =	vpush v4, $0x8;
	[smem:$0x72C] =	sst s12;
	s12 =	smulhi.u32 $0x10624DD3, s11;
	s11 =	sshra.s32 s11, $0x1F  }
0x6d: {  	s11 =	smul.u32 $0x10624DD3, s11;
	_ =	sdelay $0x1  }
0x6e: {  	[smem:$0x72F] =	sst s11;
	s11 =	spop (v2sf)  }
0x6f: {  	(v2sf) =	vpush v4, $0xA;
	[smem:$0x72E] =	sst s12;
	s12 =	smulhi.u32 $0x10624DD3, s11;
	s11 =	sshra.s32 s11, $0x1F  }
0x70: {  	s11 =	smul.u32 $0x10624DD3, s11;
	_ =	sdelay $0x1  }
0x71: {  	[smem:$0x731] =	sst s11;
	s11 =	spop (v2sf)  }
0x72: {  	(v2sf) =	vpush v4, $0xB;
	[smem:$0x730] =	sst s12;
	s12 =	smulhi.u32 $0x10624DD3, s11;
	s11 =	sshra.s32 s11, $0x1F  }
0x73: {  	s11 =	smul.u32 $0x10624DD3, s11;
	_ =	sdelay $0x1  }
0x74: {  	[smem:$0x733] =	sst s11;
	s11 =	spop (v2sf)  }
0x75: {  	(v2sf) =	vpush v4, $0x0;
	[smem:$0x732] =	sst s12;
	s12 =	smulhi.u32 $0x10624DD3, s11;
	s11 =	sshra.s32 s11, $0x1F  }
0x76: {  	s11 =	smul.u32 $0x10624DD3, s11;
	_ =	sdelay $0x1  }
0x77: {  	[smem:$0x735] =	sst s11;
	s11 =	spop (v2sf)  }
0x78: {  	(v2sf) =	vpush v4, $0x1;
	[smem:$0x734] =	sst s12;
	s12 =	smulhi.u32 $0x10624DD3, s11;
	s11 =	sshra.s32 s11, $0x1F  }
0x79: {  	s11 =	smul.u32 $0x10624DD3, s11;
	_ =	sdelay $0x1  }
0x7a: {  	[smem:$0x737] =	sst s11;
	s11 =	spop (v2sf)  }
0x7b: {  	(v2sf) =	vpush v4, $0x2;
	[smem:$0x736] =	sst s12;
	s12 =	smulhi.u32 $0x10624DD3, s11;
	s11 =	sshra.s32 s11, $0x1F  }
0x7c: {  	s11 =	smul.u32 $0x10624DD3, s11;
	_ =	sdelay $0x1  }
0x7d: {  	[smem:$0x739] =	sst s11;
	s11 =	spop (v2sf)  }
0x7e: {  	(v2sf) =	vpush v4, $0x3;
	[smem:$0x738] =	sst s12;
	s12 =	smulhi.u32 $0x10624DD3, s11;
	s11 =	sshra.s32 s11, $0x1F  }
0x7f: {  	s11 =	smul.u32 $0x10624DD3, s11;
	_ =	sdelay $0x1  }
0x80: {  	[smem:$0x73B] =	sst s11;
	s11 =	spop (v2sf)  }
0x81: {  	(v2sf) =	vpush v4, $0x4;
	[smem:$0x73A] =	sst s12;
	s12 =	smulhi.u32 $0x10624DD3, s11;
	s11 =	sshra.s32 s11, $0x1F  }
0x82: {  	s11 =	smul.u32 $0x10624DD3, s11;
	_ =	sdelay $0x1  }
0x83: {  	[smem:$0x73D] =	sst s11;
	s11 =	spop (v2sf)  }
0x84: {  	(v2sf) =	vpush v4, $0x5;
	[smem:$0x73C] =	sst s12;
	s12 =	smulhi.u32 $0x10624DD3, s11;
	s11 =	sshra.s32 s11, $0x1F  }
0x85: {  	s11 =	smul.u32 $0x10624DD3, s11;
	_ =	sdelay $0x1  }
0x86: {  	[smem:$0x73F] =	sst s11;
	s11 =	spop (v2sf)  }
0x87: {  	(v2sf) =	vpush v4, $0x6;
	[smem:$0x73E] =	sst s12;
	s12 =	smulhi.u32 $0x10624DD3, s11;
	s11 =	sshra.s32 s11, $0x1F  }
0x88: {  	s11 =	smul.u32 $0x10624DD3, s11;
	_ =	sdelay $0x1  }
0x89: {  	v5 =	vld [tilespmem:$0x30];
	[smem:$0x741] =	sst s11;
	s11 =	spop (v2sf)  }
0x8a: {  	(v2sf) =	vpush v4, $0x7;
	[smem:$0x740] =	sst s12;
	s12 =	smulhi.u32 $0x10624DD3, s11;
	s11 =	sshra.s32 s11, $0x1F  }
0x8b: {  	s11 =	smul.u32 $0x10624DD3, s11;
	_ =	sdelay $0x1  }
0x8c: {  	[smem:$0x743] =	sst s11;
	s11 =	spop (v2sf)  }
0x8d: {  	(v2sf) =	vpush v5, $0xD;
	[smem:$0x742] =	sst s12;
	s12 =	smulhi.u32 $0x10624DD3, s11;
	s11 =	sshra.s32 s11, $0x1F  }
0x8e: {  	s11 =	smul.u32 $0x10624DD3, s11;
	_ =	sdelay $0x1  }
0x8f: {  	[smem:$0x745] =	sst s11;
	s11 =	spop (v2sf)  }
0x90: {  	(v2sf) =	vpush v5, $0xC;
	[smem:$0x744] =	sst s12;
	s12 =	smulhi.u32 $0x10624DD3, s11;
	s11 =	sshra.s32 s11, $0x1F  }
0x91: {  	s11 =	smul.u32 $0x10624DD3, s11;
	_ =	sdelay $0x1  }
0x92: {  	[smem:$0x747] =	sst s11;
	s11 =	spop (v2sf)  }
0x93: {  	(v2sf) =	vpush v5, $0xE;
	[smem:$0x746] =	sst s12;
	s12 =	smulhi.u32 $0x10624DD3, s11;
	s11 =	sshra.s32 s11, $0x1F  }
0x94: {  	s11 =	smul.u32 $0x10624DD3, s11;
	_ =	sdelay $0x1  }
0x95: {  	[smem:$0x749] =	sst s11;
	s11 =	spop (v2sf)  }
0x96: {  	(v2sf) =	vpush v5, $0xF;
	[smem:$0x748] =	sst s12;
	s12 =	smulhi.u32 $0x10624DD3, s11;
	s11 =	sshra.s32 s11, $0x1F  }
0x97: {  	s11 =	smul.u32 $0x10624DD3, s11;
	_ =	sdelay $0x1  }
0x98: {  	[smem:$0x74B] =	sst s11;
	s11 =	spop (v2sf)  }
0x99: {  	(v2sf) =	vpush v5, $0x9;
	[smem:$0x74A] =	sst s12;
	s12 =	smulhi.u32 $0x10624DD3, s11;
	s11 =	sshra.s32 s11, $0x1F  }
0x9a: {  	s11 =	smul.u32 $0x10624DD3, s11;
	_ =	sdelay $0x1  }
0x9b: {  	[smem:$0x74D] =	sst s11;
	s11 =	spop (v2sf)  }
0x9c: {  	(v2sf) =	vpush v5, $0x8;
	[smem:$0x74C] =	sst s12;
	s12 =	smulhi.u32 $0x10624DD3, s11;
	s11 =	sshra.s32 s11, $0x1F  }
0x9d: {  	s11 =	smul.u32 $0x10624DD3, s11;
	_ =	sdelay $0x1  }
0x9e: {  	[smem:$0x74F] =	sst s11;
	s11 =	spop (v2sf)  }
0x9f: {  	(v2sf) =	vpush v5, $0xA;
	[smem:$0x74E] =	sst s12;
	s12 =	smulhi.u32 $0x10624DD3, s11;
	s11 =	sshra.s32 s11, $0x1F  }
0xa0: {  	s11 =	smul.u32 $0x10624DD3, s11;
	_ =	sdelay $0x1  }
0xa1: {  	[smem:$0x751] =	sst s11;
	s11 =	spop (v2sf)  }
0xa2: {  	(v2sf) =	vpush v5, $0xB;
	[smem:$0x750] =	sst s12;
	s12 =	smulhi.u32 $0x10624DD3, s11;
	s11 =	sshra.s32 s11, $0x1F  }
0xa3: {  	s11 =	smul.u32 $0x10624DD3, s11;
	_ =	sdelay $0x1  }
0xa4: {  	[smem:$0x753] =	sst s11;
	s11 =	spop (v2sf)  }
0xa5: {  	(v2sf) =	vpush v5, $0x0;
	[smem:$0x752] =	sst s12;
	s12 =	smulhi.u32 $0x10624DD3, s11;
	s11 =	sshra.s32 s11, $0x1F  }
0xa6: {  	s11 =	smul.u32 $0x10624DD3, s11;
	_ =	sdelay $0x1  }
0xa7: {  	[smem:$0x755] =	sst s11;
	s11 =	spop (v2sf)  }
0xa8: {  	(v2sf) =	vpush v5, $0x1;
	[smem:$0x754] =	sst s12;
	s12 =	smulhi.u32 $0x10624DD3, s11;
	s11 =	sshra.s32 s11, $0x1F  }
0xa9: {  	s11 =	smul.u32 $0x10624DD3, s11;
	_ =	sdelay $0x1  }
0xaa: {  	[smem:$0x757] =	sst s11;
	s11 =	spop (v2sf)  }
0xab: {  	(v2sf) =	vpush v5, $0x2;
	[smem:$0x756] =	sst s12;
	s12 =	smulhi.u32 $0x10624DD3, s11;
	s11 =	sshra.s32 s11, $0x1F  }
0xac: {  	s11 =	smul.u32 $0x10624DD3, s11;
	_ =	sdelay $0x1  }
0xad: {  	[smem:$0x759] =	sst s11;
	s11 =	spop (v2sf)  }
0xae: {  	(v2sf) =	vpush v5, $0x3;
	[smem:$0x758] =	sst s12;
	s12 =	smulhi.u32 $0x10624DD3, s11;
	s11 =	sshra.s32 s11, $0x1F  }
0xaf: {  	s11 =	smul.u32 $0x10624DD3, s11;
	_ =	sdelay $0x1  }
0xb0: {  	[smem:$0x75B] =	sst s11;
	s11 =	spop (v2sf)  }
0xb1: {  	(v2sf) =	vpush v5, $0x4;
	[smem:$0x75A] =	sst s12;
	s12 =	smulhi.u32 $0x10624DD3, s11;
	s11 =	sshra.s32 s11, $0x1F  }
0xb2: {  	s11 =	smul.u32 $0x10624DD3, s11;
	_ =	sdelay $0x1  }
0xb3: {  	[smem:$0x75D] =	sst s11;
	s11 =	spop (v2sf)  }
0xb4: {  	(v2sf) =	vpush v5, $0x5;
	[smem:$0x75C] =	sst s12;
	s12 =	smulhi.u32 $0x10624DD3, s11;
	s11 =	sshra.s32 s11, $0x1F  }
0xb5: {  	s11 =	smul.u32 $0x10624DD3, s11;
	_ =	sdelay $0x1  }
0xb6: {  	s13 =	sadd.s32 s16, s13;
	[smem:$0x75F] =	sst s11;
	s11 =	spop (v2sf)  }
0xb7: {  	(v2sf) =	vpush v5, $0x6;
	[smem:$0x75E] =	sst s12;
	s12 =	smulhi.u32 $0x10624DD3, s11;
	s11 =	sshra.s32 s11, $0x1F  }
0xb8: {  	[smem:$0x7A3] =	sst s13;
	s15 =	sadd.s32 s18, s15;
	s11 =	smul.u32 $0x10624DD3, s11  }
0xb9: {  	[smem:$0x7A5] =	sst s15  }
0xba: {  	v6 =	vld [tilespmem:$0x40];
	s17 =	sadd.s32 s20, s17;
	[smem:$0x761] =	sst s11;
	s11 =	spop (v2sf)  }
0xbb: {  	(v2sf) =	vpush v5, $0x7;
	[smem:$0x760] =	sst s12;
	s12 =	smulhi.u32 $0x10624DD3, s11;
	s11 =	sshra.s32 s11, $0x1F  }
0xbc: {  	[smem:$0x7A6] =	sst s17;
	s20 =	sadd.s32 s22, s19;
	s11 =	smul.u32 $0x10624DD3, s11  }
0xbd: {  	[smem:$0x7A9] =	sst s20  }
0xbe: {  	s22 =	sadd.s32 s23, s21;
	[smem:$0x763] =	sst s11;
	s11 =	spop (v2sf)  }
0xbf: {  	(v2sf) =	vpush v6, $0xD;
	[smem:$0x762] =	sst s12;
	s12 =	smulhi.u32 $0x10624DD3, s11;
	s11 =	sshra.s32 s11, $0x1F  }
0xc0: {  	[smem:$0x7AA] =	sst s22;
	s24 =	sadd.s32 s28, s24;
	s11 =	smul.u32 $0x10624DD3, s11  }
0xc1: {  	[smem:$0x7AD] =	sst s24  }
0xc2: {  	s28 =	sadd.s32 s30, s25;
	[smem:$0x765] =	sst s11;
	s11 =	spop (v2sf)  }
0xc3: {  	(v2sf) =	vpush v6, $0xC;
	[smem:$0x764] =	sst s12;
	s12 =	smulhi.u32 $0x10624DD3, s11;
	s11 =	sshra.s32 s11, $0x1F  }
0xc4: {  	[smem:$0x7AF] =	sst s28;
	s10 =	sadd.s32 s10, s26;
	s11 =	smul.u32 $0x10624DD3, s11  }
0xc5: {  	[smem:$0x7A4] =	sst s10  }
0xc6: {  	s2 =	sadd.s32 s2, s29;
	[smem:$0x767] =	sst s11;
	s11 =	spop (v2sf)  }
0xc7: {  	[smem:$0x766] =	sst s12;
	s12 =	smulhi.u32 $0x10624DD3, s11;
	s11 =	sshra.s32 s11, $0x1F  }
0xc8: {  	[smem:$0x7A7] =	sst s2;
	s8 =	sadd.s32 s8, s31;
	s11 =	smul.u32 $0x10624DD3, s11  }
0xc9: {  	[smem:$0x7A8] =	sst s8;
	(v2sf) =	vpush v6, $0xE  }
0xca: {  	[smem:$0x769] =	sst s11;
	s11 =	spop (v2sf)  }
0xcb: {  	(v2sf) =	vpush v6, $0xF;
	[smem:$0x768] =	sst s12;
	s12 =	smulhi.u32 $0x10624DD3, s11;
	s11 =	sshra.s32 s11, $0x1F  }
0xcc: {  	s22 =	sld [smem:$0x70A];
	s11 =	smul.u32 $0x10624DD3, s11  }
0xcd: {  	s24 =	sld [smem:$0x70B];
	(v2sf) =	vpush v6, $0x9  }
0xce: {  	[smem:$0x76B] =	sst s11;
	s11 =	spop (v2sf)  }
0xcf: {  	(v2sf) =	vpush v6, $0x8;
	[smem:$0x76A] =	sst s12;
	s12 =	smulhi.u32 $0x10624DD3, s11;
	s11 =	sshra.s32 s11, $0x1F  }
0xd0: {  	s26 =	sld [smem:$0x70C];
	s11 =	smul.u32 $0x10624DD3, s11  }
0xd1: {  	s29 =	sld [smem:$0x70D];
	(v2sf) =	vpush v6, $0xA  }
0xd2: {  	(v2sf) =	vpush v6, $0xB;
	[smem:$0x76D] =	sst s11;
	s11 =	spop (v2sf)  }
0xd3: {  	s6 =	sadd.s32 s6, s22;
	(v2sf) =	vpush v6, $0x0;
	[smem:$0x76C] =	sst s12;
	s12 =	smulhi.u32 $0x10624DD3, s11  }
0xd4: {  	[smem:$0x7AB] =	sst s6  }
0xd5: {  	s11 =	sshra.s32 s11, $0x1F;
	[smem:$0x76E] =	sst s12  }
0xd6: {  	s1 =	sadd.s32 s1, s24;
	s11 =	smul.u32 $0x10624DD3, s11;
	s12 =	sld [smem:$0x709]  }
0xd7: {  	[smem:$0x7AC] =	sst s1  }
0xd8: {  	[smem:$0x76F] =	sst s11;
	s11 =	spop (v2sf)  }
0xd9: {  	s12 =	sadd.s32 s14, s12;
	s14 =	smulhi.u32 $0x10624DD3, s11;
	s11 =	sshra.s32 s11, $0x1F  }
0xda: {  	s16 =	smul.u32 $0x10624DD3, s11;
	s11 =	spop (v2sf)  }
0xdb: {  	s22 =	sld [smem:$0x710];
	(v2sf) =	vpush v6, $0x1;
	s13 =	smulhi.u32 $0x10624DD3, s11;
	s11 =	sshra.s32 s11, $0x1F  }
0xdc: {  	s18 =	spop (v2sf);
	s15 =	smul.u32 $0x10624DD3, s11  }
0xdd: {  	s24 =	sld [smem:$0x712];
	s17 =	smulhi.u32 $0x10624DD3, s18;
	s11 =	sshra.s32 s18, $0x1F  }
0xde: {  	s23 =	spop (v2sf);
	s19 =	smul.u32 $0x10624DD3, s11  }
0xdf: {  	[smem:$0x7A1] =	sst s12;
	s18 =	smulhi.u32 $0x10624DD3, s23;
	s11 =	sshra.s32 s23, $0x1F  }
0xe0: {  	s30 =	spop (v2sf);
	s12 =	smul.u32 $0x10624DD3, s11  }
0xe1: {  	s20 =	smulhi.u32 $0x10624DD3, s30;
	s11 =	sshra.s32 s30, $0x1F;
	s21 =	spop (v2sf)  }
0xe2: {  	s30 =	sld [smem:$0x70E];
	s2 =	sshra.s32 s21, $0x1F;
	s23 =	spop (v2sf)  }
0xe3: {  	s6 =	smulhi.u32 $0x10624DD3, s23;
	s25 =	sshra.s32 s23, $0x1F;
	s23 =	sld [smem:$0x711]  }
0xe4: {  	s8 =	smul.u32 $0x10624DD3, s2;
	s2 =	sadd.s32 s7, s26;
	s26 =	sld [smem:$0x713]  }
0xe5: {  	(v2sf) =	vpush v6, $0x2;
	[smem:$0x7AE] =	sst s2  }
0xe6: {  	s2 =	sadd.s32 s3, s29;
	s3 =	sld [smem:$0x70F]  }
0xe7: {  	s29 =	sld [smem:$0x715]  }
0xe8: {  	(v2sf) =	vpush v6, $0x3;
	[smem:$0x7B0] =	sst s2  }
0xe9: {  	s2 =	sadd.s32 s5, s30;
	s30 =	sld [smem:$0x716]  }
0xea: {  	(v2sf) =	vpush v6, $0x4;
	s28 =	spop (v2sf);
	[smem:$0x7A2] =	sst s2  }
0xeb: {  	s7 =	smulhi.u32 $0x10624DD3, s28;
	s1 =	sshra.s32 s28, $0x1F;
	s28 =	sld [smem:$0x714]  }
0xec: {  	s2 =	sadd.s32 s22, s3;
	s3 =	sld [smem:$0x717]  }
0xed: {  	(v2sf) =	vpush v6, $0x5;
	[smem:$0x7B1] =	sst s2;
	s2 =	sadd.s32 s24, s23  }
0xee: {  	[smem:$0x7B2] =	sst s2  }
0xef: {  	s2 =	sadd.s32 s28, s26;
	s26 =	sld [smem:$0x718]  }
0xf0: {  	[smem:$0x7B4] =	sst s2  }
0xf1: {  	s10 =	smulhi.u32 $0x10624DD3, s21;
	s2 =	sadd.s32 s30, s29;
	s29 =	sld [smem:$0x719]  }
0xf2: {  	s21 =	smul.u32 $0x10624DD3, s25;
	s30 =	sld [smem:$0x71A]  }
0xf3: {  	(v2sf) =	vpush v6, $0x6;
	s5 =	smul.u32 $0x10624DD3, s1;
	[smem:$0x7B6] =	sst s2  }
0xf4: {  	s31 =	spop (v2sf);
	s2 =	sadd.s32 s26, s3;
	s3 =	sld [smem:$0x71B]  }
0xf5: {  	s22 =	smulhi.u32 $0x10624DD3, s31;
	s1 =	sshra.s32 s31, $0x1F;
	s26 =	sld [smem:$0x71C]  }
0xf6: {  	v7 =	vld [tilespmem:$0x50];
	s24 =	smul.u32 $0x10624DD3, s1;
	[smem:$0x7B7] =	sst s2  }
0xf7: {  	s25 =	spop (v2sf);
	s2 =	sadd.s32 s30, s29;
	s29 =	sld [smem:$0x71D]  }
0xf8: {  	(v2sf) =	vpush v6, $0x7;
	s23 =	smulhi.u32 $0x10624DD3, s25;
	s30 =	sld [smem:$0x71E]  }
0xf9: {  	s1 =	sshra.s32 s25, $0x1F;
	s31 =	spop (v2sf);
	[smem:$0x7B9] =	sst s2  }
0xfa: {  	s28 =	smulhi.u32 $0x10624DD3, s31;
	s2 =	sadd.s32 s26, s3;
	s3 =	sld [smem:$0x71F]  }
0xfb: {  	(v2sf) =	vpush v7, $0xD;
	s25 =	smul.u32 $0x10624DD3, s1;
	s26 =	sld [smem:$0x720]  }
0xfc: {  	s1 =	sshra.s32 s31, $0x1F;
	s31 =	spop (v2sf);
	[smem:$0x770] =	sst s28  }
0xfd: {  	s1 =	smul.u32 $0x10624DD3, s1;
	[smem:$0x7BC] =	sst s2  }
0xfe: {  	s28 =	smulhi.u32 $0x10624DD3, s31;
	s2 =	sadd.s32 s30, s29;
	s30 =	sld [smem:$0x722]  }
0xff: {  	[smem:$0x771] =	sst s1  }
0x100: {  	s1 =	sshra.s32 s31, $0x1F;
	[smem:$0x772] =	sst s28  }
0x101: {  	(v2sf) =	vpush v7, $0xC;
	s1 =	smul.u32 $0x10624DD3, s1;
	s28 =	sld [smem:$0x721]  }
0x102: {  	(v2sf) =	vpush v7, $0xE;
	[smem:$0x7BE] =	sst s2;
	s31 =	spop (v2sf)  }
0x103: {  	(v2sf) =	vpush v7, $0xF;
	s2 =	sadd.s32 s9, s3;
	[smem:$0x773] =	sst s1;
	s1 =	sshra.s32 s31, $0x1F  }
0x104: {  	(v2sf) =	vpush v7, $0x9;
	[smem:$0x7B5] =	sst s2;
	s2 =	sadd.s32 s28, s26;
	s1 =	smul.u32 $0x10624DD3, s1  }
0x105: {  	s0 =	smul.u32 $0x10624DD3, s0;
	(v2sf) =	vpush v7, $0x8;
	[smem:$0x7B8] =	sst s2  }
0x106: {  	(v2sf) =	vpush v7, $0xA;
	s9 =	smulhi.u32 $0x10624DD3, s31;
	s2 =	sadd.s32 s4, s30;
	[smem:$0x774] =	sst s1  }
0x107: {  	s29 =	spop (v2sf);
	(v2sf) =	vpush v7, $0xB;
	[smem:$0x7BA] =	sst s2  }
0x108: {  	s3 =	smulhi.u32 $0x10624DD3, s29;
	s1 =	sshra.s32 s29, $0x1F;
	s2 =	sld [smem:$0x723]  }
0x109: {  	s4 =	smul.u32 $0x10624DD3, s1;
	s26 =	sld [smem:$0x725]  }
0x10a: {  	s31 =	spop (v2sf);
	s29 =	sld [smem:$0x726]  }
0x10b: {  	s28 =	smulhi.u32 $0x10624DD3, s31;
	s30 =	sld [smem:$0x727]  }
0x10c: {  	s0 =	sadd.s32 s0, s2;
	s2 =	sld [smem:$0x724]  }
0x10d: {  	s3 =	sadd.s32 s4, s3;
	[smem:$0x775] =	sst s28  }
0x10e: {  	[smem:$0x7E5] =	sst s3  }
0x10f: {  	[smem:$0x7BB] =	sst s0;
	s0 =	sshra.s32 s31, $0x1F  }
0x110: {  	s31 =	spop (v2sf);
	s1 =	sadd.s32 s26, s2;
	s2 =	sld [smem:$0x728]  }
0x111: {  	s0 =	smul.u32 $0x10624DD3, s0;
	s26 =	sld [smem:$0x729]  }
0x112: {  	s28 =	smulhi.u32 $0x10624DD3, s31;
	[smem:$0x7BD] =	sst s1  }
0x113: {  	[smem:$0x776] =	sst s0  }
0x114: {  	[smem:$0x777] =	sst s28  }
0x115: {  	s1 =	sadd.s32 s30, s29;
	s29 =	sld [smem:$0x72A]  }
0x116: {  	s30 =	sld [smem:$0x72B]  }
0x117: {  	s0 =	sshra.s32 s31, $0x1F;
	[smem:$0x7BF] =	sst s1  }
0x118: {  	s31 =	spop (v2sf);
	s1 =	sadd.s32 s26, s2;
	s2 =	sld [smem:$0x72C]  }
0x119: {  	s0 =	smul.u32 $0x10624DD3, s0;
	s26 =	sld [smem:$0x72D]  }
0x11a: {  	s28 =	smulhi.u32 $0x10624DD3, s31;
	[smem:$0x7C0] =	sst s1  }
0x11b: {  	[smem:$0x778] =	sst s0  }
0x11c: {  	[smem:$0x779] =	sst s28  }
0x11d: {  	s1 =	sadd.s32 s30, s29;
	s29 =	sld [smem:$0x72E]  }
0x11e: {  	s30 =	sld [smem:$0x72F]  }
0x11f: {  	s0 =	sshra.s32 s31, $0x1F;
	[smem:$0x7B3] =	sst s1  }
0x120: {  	s31 =	spop (v2sf);
	s1 =	sadd.s32 s26, s2;
	s2 =	sld [smem:$0x730]  }
0x121: {  	s0 =	smul.u32 $0x10624DD3, s0;
	s26 =	sld [smem:$0x731]  }
0x122: {  	s28 =	smulhi.u32 $0x10624DD3, s31;
	[smem:$0x7C1] =	sst s1  }
0x123: {  	[smem:$0x77A] =	sst s0  }
0x124: {  	[smem:$0x77B] =	sst s28  }
0x125: {  	s1 =	sadd.s32 s30, s29;
	s29 =	sld [smem:$0x732]  }
0x126: {  	s30 =	sld [smem:$0x733]  }
0x127: {  	s0 =	sshra.s32 s31, $0x1F;
	[smem:$0x7C2] =	sst s1  }
0x128: {  	s31 =	spop (v2sf);
	s1 =	sadd.s32 s26, s2;
	s2 =	sld [smem:$0x734]  }
0x129: {  	s0 =	smul.u32 $0x10624DD3, s0;
	s26 =	sld [smem:$0x735]  }
0x12a: {  	s28 =	smulhi.u32 $0x10624DD3, s31;
	[smem:$0x7C4] =	sst s1  }
0x12b: {  	[smem:$0x77C] =	sst s0  }
0x12c: {  	[smem:$0x77D] =	sst s28  }
0x12d: {  	s1 =	sadd.s32 s30, s29;
	s29 =	sld [smem:$0x736]  }
0x12e: {  	s30 =	sld [smem:$0x737]  }
0x12f: {  	s0 =	sshra.s32 s31, $0x1F;
	[smem:$0x7C6] =	sst s1  }
0x130: {  	s31 =	spop (v2sf);
	s1 =	sadd.s32 s26, s2;
	s2 =	sld [smem:$0x738]  }
0x131: {  	s0 =	smul.u32 $0x10624DD3, s0;
	s26 =	sld [smem:$0x739]  }
0x132: {  	s28 =	smulhi.u32 $0x10624DD3, s31;
	[smem:$0x7C8] =	sst s1  }
0x133: {  	[smem:$0x77E] =	sst s0  }
0x134: {  	[smem:$0x77F] =	sst s28  }
0x135: {  	s1 =	sadd.s32 s30, s29;
	s29 =	sld [smem:$0x73A]  }
0x136: {  	s30 =	sld [smem:$0x73B]  }
0x137: {  	s0 =	sshra.s32 s31, $0x1F;
	[smem:$0x7C9] =	sst s1  }
0x138: {  	s31 =	spop (v2sf);
	s1 =	sadd.s32 s26, s2;
	s2 =	sld [smem:$0x73C]  }
0x139: {  	(v2sf) =	vpush v7, $0x0;
	s0 =	smul.u32 $0x10624DD3, s0;
	s26 =	sld [smem:$0x73D]  }
0x13a: {  	s28 =	smulhi.u32 $0x10624DD3, s31;
	[smem:$0x7CB] =	sst s1  }
0x13b: {  	[smem:$0x780] =	sst s0  }
0x13c: {  	[smem:$0x781] =	sst s28  }
0x13d: {  	s1 =	sadd.s32 s30, s29;
	s29 =	sld [smem:$0x73E]  }
0x13e: {  	s30 =	sld [smem:$0x73F]  }
0x13f: {  	s0 =	sshra.s32 s31, $0x1F;
	[smem:$0x7CE] =	sst s1  }
0x140: {  	s31 =	spop (v2sf);
	s1 =	sadd.s32 s26, s2;
	s2 =	sld [smem:$0x740]  }
0x141: {  	(v2sf) =	vpush v7, $0x1;
	s0 =	smul.u32 $0x10624DD3, s0;
	s26 =	sld [smem:$0x741]  }
0x142: {  	s28 =	smulhi.u32 $0x10624DD3, s31;
	[smem:$0x7C5] =	sst s1  }
0x143: {  	[smem:$0x782] =	sst s0  }
0x144: {  	[smem:$0x783] =	sst s28  }
0x145: {  	s1 =	sadd.s32 s30, s29;
	s29 =	sld [smem:$0x742]  }
0x146: {  	s30 =	sld [smem:$0x743]  }
0x147: {  	s0 =	sshra.s32 s31, $0x1F;
	[smem:$0x7C7] =	sst s1  }
0x148: {  	s31 =	spop (v2sf);
	s1 =	sadd.s32 s26, s2;
	s2 =	sld [smem:$0x744]  }
0x149: {  	(v2sf) =	vpush v7, $0x2;
	s0 =	smul.u32 $0x10624DD3, s0;
	s26 =	sld [smem:$0x745]  }
0x14a: {  	s28 =	smulhi.u32 $0x10624DD3, s31;
	[smem:$0x7CA] =	sst s1  }
0x14b: {  	[smem:$0x784] =	sst s0  }
0x14c: {  	[smem:$0x785] =	sst s28  }
0x14d: {  	s1 =	sadd.s32 s30, s29;
	s29 =	sld [smem:$0x746]  }
0x14e: {  	s30 =	sld [smem:$0x747]  }
0x14f: {  	s0 =	sshra.s32 s31, $0x1F;
	[smem:$0x7CC] =	sst s1  }
0x150: {  	s31 =	spop (v2sf);
	s1 =	sadd.s32 s26, s2;
	s2 =	sld [smem:$0x748]  }
0x151: {  	(v2sf) =	vpush v7, $0x3;
	s0 =	smul.u32 $0x10624DD3, s0;
	s26 =	sld [smem:$0x749]  }
0x152: {  	s28 =	smulhi.u32 $0x10624DD3, s31;
	[smem:$0x7CD] =	sst s1  }
0x153: {  	[smem:$0x786] =	sst s0  }
0x154: {  	[smem:$0x787] =	sst s28  }
0x155: {  	s1 =	sadd.s32 s30, s29;
	s29 =	sld [smem:$0x74A]  }
0x156: {  	s30 =	sld [smem:$0x74B]  }
0x157: {  	s0 =	sshra.s32 s31, $0x1F;
	[smem:$0x7CF] =	sst s1  }
0x158: {  	s31 =	spop (v2sf);
	s1 =	sadd.s32 s26, s2;
	s2 =	sld [smem:$0x74C]  }
0x159: {  	(v2sf) =	vpush v7, $0x4;
	s0 =	smul.u32 $0x10624DD3, s0;
	s26 =	sld [smem:$0x74D]  }
0x15a: {  	s28 =	smulhi.u32 $0x10624DD3, s31;
	[smem:$0x7D0] =	sst s1  }
0x15b: {  	[smem:$0x788] =	sst s0  }
0x15c: {  	[smem:$0x789] =	sst s28  }
0x15d: {  	s1 =	sadd.s32 s30, s29;
	s29 =	sld [smem:$0x74E]  }
0x15e: {  	s30 =	sld [smem:$0x74F]  }
0x15f: {  	s0 =	sshra.s32 s31, $0x1F;
	[smem:$0x7C3] =	sst s1  }
0x160: {  	s31 =	spop (v2sf);
	s1 =	sadd.s32 s26, s2;
	s2 =	sld [smem:$0x750]  }
0x161: {  	(v2sf) =	vpush v7, $0x5;
	s0 =	smul.u32 $0x10624DD3, s0;
	s26 =	sld [smem:$0x751]  }
0x162: {  	s28 =	smulhi.u32 $0x10624DD3, s31;
	[smem:$0x7D1] =	sst s1  }
0x163: {  	[smem:$0x78A] =	sst s0  }
0x164: {  	[smem:$0x78B] =	sst s28  }
0x165: {  	s1 =	sadd.s32 s30, s29;
	s29 =	sld [smem:$0x752]  }
0x166: {  	s30 =	sld [smem:$0x753]  }
0x167: {  	s0 =	sshra.s32 s31, $0x1F;
	[smem:$0x7D2] =	sst s1  }
0x168: {  	s31 =	spop (v2sf);
	s1 =	sadd.s32 s26, s2;
	s2 =	sld [smem:$0x754]  }
0x169: {  	(v2sf) =	vpush v7, $0x6;
	s0 =	smul.u32 $0x10624DD3, s0;
	s26 =	sld [smem:$0x755]  }
0x16a: {  	s28 =	smulhi.u32 $0x10624DD3, s31;
	[smem:$0x7D3] =	sst s1  }
0x16b: {  	[smem:$0x78C] =	sst s0  }
0x16c: {  	[smem:$0x78D] =	sst s28  }
0x16d: {  	s1 =	sadd.s32 s30, s29;
	s29 =	sld [smem:$0x756]  }
0x16e: {  	s30 =	sld [smem:$0x757]  }
0x16f: {  	s0 =	sshra.s32 s31, $0x1F;
	[smem:$0x7D5] =	sst s1  }
0x170: {  	s31 =	spop (v2sf);
	s1 =	sadd.s32 s26, s2;
	s2 =	sld [smem:$0x758]  }
0x171: {  	(v2sf) =	vpush v7, $0x7;
	s0 =	smul.u32 $0x10624DD3, s0;
	s26 =	sld [smem:$0x759]  }
0x172: {  	s28 =	smulhi.u32 $0x10624DD3, s31;
	[smem:$0x7D7] =	sst s1  }
0x173: {  	[smem:$0x78E] =	sst s0  }
0x174: {  	v8 =	vld [tilespmem:$0x60];
	[smem:$0x78F] =	sst s28  }
0x175: {  	s1 =	sadd.s32 s30, s29;
	s29 =	sld [smem:$0x75A]  }
0x176: {  	s30 =	sld [smem:$0x75B]  }
0x177: {  	s0 =	sshra.s32 s31, $0x1F;
	[smem:$0x7D9] =	sst s1  }
0x178: {  	s31 =	spop (v2sf);
	s1 =	sadd.s32 s26, s2;
	s2 =	sld [smem:$0x75C]  }
0x179: {  	(v2sf) =	vpush v8, $0xD;
	s0 =	smul.u32 $0x10624DD3, s0;
	s26 =	sld [smem:$0x75D]  }
0x17a: {  	s28 =	smulhi.u32 $0x10624DD3, s31;
	[smem:$0x7DB] =	sst s1  }
0x17b: {  	[smem:$0x790] =	sst s0  }
0x17c: {  	[smem:$0x791] =	sst s28  }
0x17d: {  	s1 =	sadd.s32 s30, s29;
	s29 =	sld [smem:$0x75E]  }
0x17e: {  	s30 =	sld [smem:$0x75F]  }
0x17f: {  	s0 =	sshra.s32 s31, $0x1F;
	[smem:$0x7DE] =	sst s1  }
0x180: {  	s31 =	spop (v2sf);
	s1 =	sadd.s32 s26, s2;
	s2 =	sld [smem:$0x760]  }
0x181: {  	(v2sf) =	vpush v8, $0xC;
	s0 =	smul.u32 $0x10624DD3, s0;
	s26 =	sld [smem:$0x761]  }
0x182: {  	s28 =	smulhi.u32 $0x10624DD3, s31;
	[smem:$0x7D6] =	sst s1  }
0x183: {  	[smem:$0x792] =	sst s0  }
0x184: {  	[smem:$0x793] =	sst s28  }
0x185: {  	s1 =	sadd.s32 s30, s29;
	s29 =	sld [smem:$0x762]  }
0x186: {  	s30 =	sld [smem:$0x763]  }
0x187: {  	s0 =	sshra.s32 s31, $0x1F;
	[smem:$0x7D8] =	sst s1  }
0x188: {  	s31 =	spop (v2sf);
	s1 =	sadd.s32 s26, s2;
	s2 =	sld [smem:$0x764]  }
0x189: {  	(v2sf) =	vpush v8, $0xE;
	s0 =	smul.u32 $0x10624DD3, s0;
	s26 =	sld [smem:$0x765]  }
0x18a: {  	s28 =	smulhi.u32 $0x10624DD3, s31;
	[smem:$0x7DA] =	sst s1  }
0x18b: {  	[smem:$0x794] =	sst s0  }
0x18c: {  	[smem:$0x795] =	sst s28  }
0x18d: {  	s1 =	sadd.s32 s30, s29;
	s29 =	sld [smem:$0x766]  }
0x18e: {  	s30 =	sld [smem:$0x767]  }
0x18f: {  	s0 =	sshra.s32 s31, $0x1F;
	[smem:$0x7DC] =	sst s1  }
0x190: {  	s31 =	spop (v2sf);
	s1 =	sadd.s32 s26, s2;
	s2 =	sld [smem:$0x768]  }
0x191: {  	s0 =	smul.u32 $0x10624DD3, s0;
	s26 =	sld [smem:$0x769]  }
0x192: {  	s28 =	smulhi.u32 $0x10624DD3, s31;
	[smem:$0x7DD] =	sst s1  }
0x193: {  	[smem:$0x796] =	sst s0  }
0x194: {  	[smem:$0x797] =	sst s28  }
0x195: {  	s1 =	sadd.s32 s30, s29;
	s29 =	sld [smem:$0x76A]  }
0x196: {  	s30 =	sld [smem:$0x76B]  }
0x197: {  	s0 =	sshra.s32 s31, $0x1F;
	[smem:$0x7DF] =	sst s1  }
0x198: {  	s31 =	spop (v2sf);
	s1 =	sadd.s32 s26, s2;
	s2 =	sld [smem:$0x76C]  }
0x199: {  	s0 =	smul.u32 $0x10624DD3, s0;
	s26 =	sld [smem:$0x76D]  }
0x19a: {  	s28 =	smulhi.u32 $0x10624DD3, s31;
	[smem:$0x7E0] =	sst s1  }
0x19b: {  	(v2sf) =	vpush v8, $0xF;
	[smem:$0x798] =	sst s0  }
0x19c: {  	[smem:$0x799] =	sst s28  }
0x19d: {  	s1 =	sadd.s32 s30, s29;
	s29 =	sld [smem:$0x76E]  }
0x19e: {  	s30 =	sld [smem:$0x76F]  }
0x19f: {  	s28 =	sadd.s32 s19, s17;
	s19 =	sadd.s32 s25, s23;
	s23 =	sld [smem:$0x772]  }
0x1a0: {  	[smem:$0x7D4] =	sst s1  }
0x1a1: {  	s0 =	sshra.s32 s31, $0x1F;
	[smem:$0x7E7] =	sst s28  }
0x1a2: {  	s0 =	smul.u32 $0x10624DD3, s0;
	[smem:$0x7EC] =	sst s19;
	s1 =	sadd.s32 s26, s2  }
0x1a3: {  	[smem:$0x7E1] =	sst s1  }
0x1a4: {  	s2 =	sadd.s32 s16, s14;
	[smem:$0x79A] =	sst s0  }
0x1a5: {  	(v2sf) =	vpush v8, $0x9;
	s16 =	sadd.s32 s15, s13;
	[smem:$0x7E3] =	sst s2  }
0x1a6: {  	s1 =	sadd.s32 s30, s29;
	[smem:$0x7E4] =	sst s16  }
0x1a7: {  	s30 =	sadd.s32 s12, s18;
	s18 =	sadd.s32 s24, s22;
	s22 =	sld [smem:$0x771]  }
0x1a8: {  	(v2sf) =	vpush v8, $0x8;
	s16 =	sadd.s32 s5, s7;
	s5 =	sld [smem:$0x775]  }
0x1a9: {  	s7 =	sld [smem:$0x777]  }
0x1aa: {  	s31 =	spop (v2sf);
	s12 =	sadd.s32 s8, s10;
	s8 =	sld [smem:$0x778]  }
0x1ab: {  	(v2sf) =	vpush v8, $0xA;
	s14 =	smulhi.u32 $0x10624DD3, s31;
	s10 =	sld [smem:$0x779]  }
0x1ac: {  	s11 =	smul.u32 $0x10624DD3, s11;
	[smem:$0x7E2] =	sst s1  }
0x1ad: {  	[smem:$0x79B] =	sst s14  }
0x1ae: {  	s2 =	sadd.s32 s11, s20;
	[smem:$0x7E8] =	sst s30  }
0x1af: {  	[smem:$0x7EB] =	sst s2  }
0x1b0: {  	[smem:$0x7EE] =	sst s12  }
0x1b1: {  	[smem:$0x7E9] =	sst s16  }
0x1b2: {  	[smem:$0x7EA] =	sst s18  }
0x1b3: {  	s14 =	sadd.s32 s21, s6;
	s21 =	sld [smem:$0x770]  }
0x1b4: {  	s26 =	spop (v2sf);
	s2 =	sld [smem:$0x774]  }
0x1b5: {  	s29 =	smulhi.u32 $0x10624DD3, s26;
	s6 =	sld [smem:$0x776]  }
0x1b6: {  	(v2sf) =	vpush v8, $0xB;
	s12 =	sld [smem:$0x77B]  }
0x1b7: {  	s0 =	sshra.s32 s31, $0x1F;
	s31 =	spop (v2sf);
	[smem:$0x79D] =	sst s29  }
0x1b8: {  	(v2sf) =	vpush v8, $0x0;
	s0 =	smul.u32 $0x10624DD3, s0;
	[smem:$0x7E6] =	sst s14  }
0x1b9: {  	s11 =	smulhi.u32 $0x10624DD3, s31;
	s29 =	sld [smem:$0x773]  }
0x1ba: {  	s13 =	spop (v2sf);
	[smem:$0x79C] =	sst s0  }
0x1bb: {  	(v2sf) =	vpush v8, $0x1;
	s15 =	smulhi.u32 $0x10624DD3, s13;
	[smem:$0x79E] =	sst s11  }
0x1bc: {  	s11 =	sld [smem:$0x77A]  }
0x1bd: {  	[smem:$0x7A0] =	sst s15  }
0x1be: {  	(v2sf) =	vpush v8, $0x2;
	s0 =	sshra.s32 s26, $0x1F;
	s1 =	sadd.s32 s22, s21;
	s15 =	sld [smem:$0x77D]  }
0x1bf: {  	s30 =	smul.u32 $0x10624DD3, s0;
	[smem:$0x7ED] =	sst s1  }
0x1c0: {  	s0 =	sshra.s32 s31, $0x1F;
	s1 =	sadd.s32 s29, s23;
	s29 =	sld [smem:$0x77F]  }
0x1c1: {  	s0 =	smul.u32 $0x10624DD3, s0;
	[smem:$0x7EF] =	sst s1  }
0x1c2: {  	s1 =	sadd.s32 s2, s9;
	s2 =	sld [smem:$0x78F]  }
0x1c3: {  	[smem:$0x79F] =	sst s0  }
0x1c4: {  	(v2sf) =	vpush v8, $0x3;
	[smem:$0x7F0] =	sst s1  }
0x1c5: {  	s17 =	spop (v2sf);
	s0 =	sshra.s32 s13, $0x1F;
	s13 =	sld [smem:$0x77C]  }
0x1c6: {  	s28 =	smulhi.u32 $0x10624DD3, s17;
	s1 =	sadd.s32 s6, s5;
	s5 =	sld [smem:$0x782]  }
0x1c7: {  	s20 =	spop (v2sf);
	s6 =	sld [smem:$0x783]  }
0x1c8: {  	s25 =	smulhi.u32 $0x10624DD3, s20;
	[smem:$0x7F1] =	sst s1  }
0x1c9: {  	s26 =	smul.u32 $0x10624DD3, s0;
	s0 =	sshra.s32 s17, $0x1F;
	s17 =	sld [smem:$0x77E]  }
0x1ca: {  	s31 =	spop (v2sf);
	s1 =	sadd.s32 s8, s7;
	s7 =	sld [smem:$0x784]  }
0x1cb: {  	(v2sf) =	vpush v8, $0x4;
	s23 =	smulhi.u32 $0x10624DD3, s31;
	[smem:$0x7F2] =	sst s1  }
0x1cc: {  	s24 =	smul.u32 $0x10624DD3, s0;
	s1 =	sadd.s32 s11, s10;
	s10 =	sld [smem:$0x786]  }
0x1cd: {  	(v2sf) =	vpush v8, $0x5;
	s0 =	sshra.s32 s20, $0x1F;
	s4 =	spop (v2sf);
	s11 =	sld [smem:$0x787]  }
0x1ce: {  	s22 =	smul.u32 $0x10624DD3, s0;
	s0 =	sshra.s32 s31, $0x1F;
	[smem:$0x7F3] =	sst s1  }
0x1cf: {  	s21 =	smulhi.u32 $0x10624DD3, s4;
	s1 =	sadd.s32 s13, s12;
	s31 =	sld [smem:$0x780]  }
0x1d0: {  	s20 =	smul.u32 $0x10624DD3, s0;
	[smem:$0x7F4] =	sst s1  }
0x1d1: {  	(v2sf) =	vpush v8, $0x6;
	s0 =	sshra.s32 s4, $0x1F;
	s1 =	sadd.s32 s17, s15;
	s4 =	sld [smem:$0x781]  }
0x1d2: {  	s24 =	sadd.s32 s24, s28;
	s18 =	smul.u32 $0x10624DD3, s0;
	[smem:$0x7F5] =	sst s1  }
0x1d3: {  	(v2sf) =	vpush v8, $0x7;
	s9 =	spop (v2sf);
	[dreg:$0x13] =	wrdreg s24  }
0x1d4: {  	s19 =	smulhi.u32 $0x10624DD3, s9;
	s0 =	sshra.s32 s9, $0x1F;
	s9 =	sld [smem:$0x785]  }
0x1d5: {  	s22 =	sadd.s32 s22, s25;
	s1 =	sadd.s32 s31, s29;
	s29 =	sld [smem:$0x788]  }
0x1d6: {  	[dreg:$0x1a] =	wrdreg s22  }
0x1d7: {  	v9 =	vld [tilespmem:$0x70];
	[smem:$0x7F7] =	sst s1  }
0x1d8: {  	s1 =	sadd.s32 s5, s4;
	s4 =	sld [smem:$0x78A]  }
0x1d9: {  	s20 =	sadd.s32 s20, s23;
	s16 =	smul.u32 $0x10624DD3, s0;
	s5 =	sld [smem:$0x78B]  }
0x1da: {  	s14 =	spop (v2sf);
	[dreg:$0x12] =	wrdreg s20;
	s18 =	sadd.s32 s18, s21  }
0x1db: {  	s17 =	smulhi.u32 $0x10624DD3, s14;
	s0 =	sshra.s32 s14, $0x1F;
	[smem:$0x7F9] =	sst s1  }
0x1dc: {  	(v2sf) =	vpush v9, $0xD;
	s3 =	spop (v2sf);
	s1 =	sadd.s32 s7, s6;
	s6 =	sld [smem:$0x78C]  }
0x1dd: {  	[dreg:$0x11] =	wrdreg s18;
	s14 =	smul.u32 $0x10624DD3, s0  }
0x1de: {  	s15 =	smulhi.u32 $0x10624DD3, s3;
	[dreg:$0x1f] =	wrdreg s1  }
0x1df: {  	s0 =	sshra.s32 s3, $0x1F;
	s1 =	sadd.s32 s10, s9;
	s3 =	sld [smem:$0x789]  }
0x1e0: {  	(v2sf) =	vpush v9, $0xC;
	s8 =	spop (v2sf);
	s16 =	sadd.s32 s16, s19;
	[smem:$0x7F8] =	sst s1  }
0x1e1: {  	s12 =	smul.u32 $0x10624DD3, s0;
	s1 =	sadd.s32 s29, s11;
	s29 =	sld [smem:$0x78D]  }
0x1e2: {  	s0 =	sshra.s32 s8, $0x1F;
	s31 =	spop (v2sf);
	[dreg:$0x10] =	wrdreg s16  }
0x1e3: {  	[smem:$0x7FA] =	sst s1;
	s10 =	smul.u32 $0x10624DD3, s0  }
0x1e4: {  	(v2sf) =	vpush v9, $0xE;
	s11 =	smulhi.u32 $0x10624DD3, s31;
	s0 =	sshra.s32 s31, $0x1F;
	s31 =	sld [smem:$0x78E]  }
0x1e5: {  	s14 =	sadd.s32 s14, s17;
	s1 =	sadd.s32 s4, s3;
	s3 =	sld [smem:$0x790]  }
0x1e6: {  	[dreg:$0xf] =	wrdreg s14  }
0x1e7: {  	[smem:$0x7FB] =	sst s1  }
0x1e8: {  	s1 =	sadd.s32 s6, s5;
	s5 =	sld [smem:$0x791]  }
0x1e9: {  	s6 =	sld [smem:$0x792]  }
0x1ea: {  	s13 =	smulhi.u32 $0x10624DD3, s8;
	[smem:$0x7FC] =	sst s1  }
0x1eb: {  	s7 =	spop (v2sf);
	s1 =	sadd.s32 s31, s29;
	s29 =	sld [smem:$0x793]  }
0x1ec: {  	s8 =	smul.u32 $0x10624DD3, s0;
	s31 =	sld [smem:$0x794]  }
0x1ed: {  	s9 =	smulhi.u32 $0x10624DD3, s7;
	[dreg:$0x1e] =	wrdreg s1  }
0x1ee: {  	s0 =	sshra.s32 s7, $0x1F;
	s1 =	sadd.s32 s3, s2;
	s2 =	sld [smem:$0x797]  }
0x1ef: {  	s4 =	spop (v2sf);
	[dreg:$0x1d] =	wrdreg s1;
	s1 =	sadd.s32 s6, s5  }
0x1f0: {  	s7 =	smul.u32 $0x10624DD3, s0;
	s0 =	sshra.s32 s4, $0x1F;
	[dreg:$0x1c] =	wrdreg s1  }
0x1f1: {  	s6 =	smulhi.u32 $0x10624DD3, s4;
	s1 =	sadd.s32 s31, s29;
	s29 =	sld [smem:$0x795]  }
0x1f2: {  	s5 =	smul.u32 $0x10624DD3, s0;
	s31 =	sld [smem:$0x796]  }
0x1f3: {  	(v2sf) =	vpush v9, $0xF;
	s3 =	spop (v2sf);
	[smem:$0x7F6] =	sst s1  }
0x1f4: {  	s4 =	smulhi.u32 $0x10624DD3, s3;
	s0 =	sshra.s32 s3, $0x1F;
	s3 =	sld [smem:$0x798]  }
0x1f5: {  	s1 =	sadd.s32 s31, s29;
	s29 =	sld [smem:$0x799]  }
0x1f6: {  	(v2sf) =	vpush v9, $0x9;
	s31 =	sld [smem:$0x79A]  }
0x1f7: {  	[dreg:$0x18] =	wrdreg s1;
	s1 =	sadd.s32 s3, s2  }
0x1f8: {  	[dreg:$0x1b] =	wrdreg s1  }
0x1f9: {  	(v2sf) =	vpush v9, $0x8;
	s1 =	sadd.s32 s31, s29;
	s29 =	sld [smem:$0x79C]  }
0x1fa: {  	[dreg:$0x19] =	wrdreg s1  }
0x1fb: {  	(v2sf) =	vpush v9, $0xA;
	s12 =	sadd.s32 s12, s15;
	s1 =	sld [smem:$0x79B]  }
0x1fc: {  	[dreg:$0xe] =	wrdreg s12  }
0x1fd: {  	(v2sf) =	vpush v9, $0xB;
	s12 =	sld [smem:$0x7A7]  }
0x1fe: {  	s10 =	sadd.s32 s10, s13;
	s1 =	sadd.s32 s29, s1;
	s29 =	sld [smem:$0x79D]  }
0x1ff: {  	(v2sf) =	vpush v9, $0x0;
	[dreg:$0xd] =	wrdreg s10;
	s8 =	sadd.s32 s8, s11  }
0x200: {  	[smem:$0x7FD] =	sst s8  }
0x201: {  	(v2sf) =	vpush v9, $0x1;
	s3 =	smul.u32 $0x10624DD3, s0;
	s31 =	sadd.s32 s30, s29;
	s30 =	sld [smem:$0x79E]  }
0x202: {  	s0 =	spop (v2sf);
	s29 =	sld [smem:$0x79F]  }
0x203: {  	s8 =	sld [smem:$0x7A5];
	(v2sf) =	vpush v9, $0x2;
	s2 =	smulhi.u32 $0x10624DD3, s0;
	s0 =	sshra.s32 s0, $0x1F  }
0x204: {  	s7 =	sadd.s32 s7, s9;
	[dreg:$0x15] =	wrdreg s1;
	s1 =	smul.u32 $0x10624DD3, s0  }
0x205: {  	(v2sf) =	vpush v9, $0x3;
	s0 =	spop (v2sf);
	s30 =	sadd.s32 s29, s30;
	s29 =	sld [smem:$0x7A0]  }
0x206: {  	[dreg:$0x17] =	wrdreg s31;
	s31 =	smulhi.u32 $0x10624DD3, s0;
	s0 =	sshra.s32 s0, $0x1F  }
0x207: {  	[dreg:$0xc] =	wrdreg s7;
	(v2sf) =	vpush v9, $0x4;
	s0 =	smul.u32 $0x10624DD3, s0  }
0x208: {  	[dreg:$0x16] =	wrdreg s30;
	s30 =	spop (v2sf);
	s26 =	sadd.s32 s26, s29  }
0x209: {  	[dreg:$0x14] =	wrdreg s26;
	s26 =	smulhi.u32 $0x10624DD3, s30;
	s30 =	sshra.s32 s30, $0x1F  }
0x20a: {  	s21 =	sadd.s32 s3, s4;
	s24 =	smul.u32 $0x10624DD3, s30;
	s30 =	spop (v2sf)  }
0x20b: {  	s4 =	sld [smem:$0x7A9];
	s22 =	smulhi.u32 $0x10624DD3, s30;
	s29 =	sshra.s32 s30, $0x1F  }
0x20c: {  	s23 =	sadd.s32 s0, s31;
	s30 =	spop (v2sf);
	s20 =	smul.u32 $0x10624DD3, s29  }
0x20d: {  	s31 =	sld [smem:$0x7A4];
	s18 =	smulhi.u32 $0x10624DD3, s30;
	s25 =	sshra.s32 s30, $0x1F  }
0x20e: {  	s1 =	sadd.s32 s1, s2;
	s28 =	spop (v2sf);
	s16 =	smul.u32 $0x10624DD3, s25  }
0x20f: {  	[dreg:$0xb] =	wrdreg s1;
	s14 =	smulhi.u32 $0x10624DD3, s28;
	s29 =	sshra.s32 s28, $0x1F  }
0x210: {  	s25 =	spop (v2sf);
	s30 =	smul.u32 $0x10624DD3, s29  }
0x211: {  	s7 =	sshrl.u32 s31, $0x1F;
	s10 =	smulhi.u32 $0x10624DD3, s25;
	s28 =	sshra.s32 s25, $0x1F  }
0x212: {  	s26 =	sadd.s32 s24, s26;
	s25 =	spop (v2sf);
	s29 =	smul.u32 $0x10624DD3, s28  }
0x213: {  	s22 =	sadd.s32 s20, s22;
	s28 =	smulhi.u32 $0x10624DD3, s25;
	s13 =	sshra.s32 s25, $0x1F  }
0x214: {  	s25 =	sadd.s32 s5, s6;
	s17 =	spop (v2sf);
	s15 =	smul.u32 $0x10624DD3, s13  }
0x215: {  	s20 =	sadd.s32 s16, s18;
	s19 =	smulhi.u32 $0x10624DD3, s17;
	s6 =	sshra.s32 s17, $0x1F  }
0x216: {  	s11 =	spop (v2sf);
	s30 =	sadd.s32 s30, s14;
	s14 =	sld [smem:$0x7A1]  }
0x217: {  	s5 =	sshra.s32 s31, $0x1F;
	s17 =	sld [smem:$0x7A3];
	s9 =	smul.u32 $0x10624DD3, s6  }
0x218: {  	s13 =	smulhi.u32 $0x10624DD3, s11;
	s2 =	sshra.s32 s11, $0x1F;
	s28 =	sadd.s32 s15, s28  }
0x219: {  	s15 =	sshrl.u32 s14, $0x1F;
	s0 =	sshra.s32 s14, $0x6;
	s14 =	sld [smem:$0x7A2]  }
0x21a: {  	s29 =	sadd.s32 s29, s10;
	s6 =	sshra.s32 s31, $0x6;
	s10 =	sld [smem:$0x7A6]  }
0x21b: {  	s2 =	smul.u32 $0x10624DD3, s2;
	s24 =	sadd.s32 s9, s19;
	s18 =	sshrl.u32 s17, $0x1F  }
0x21c: {  	s3 =	sshra.s32 s17, $0x6;
	s9 =	sshrl.u32 s8, $0x1F;
	s16 =	sshra.s32 s14, $0x1F  }
0x21d: {  	s17 =	sld [smem:$0x7A8];
	s19 =	sadd.s32 s2, s13;
	v11 =	vmov s18;
	s13 =	sshra.s32 s12, $0x6;
	v10 =	vmov s16  }
0x21e: {  	v12 =	vmov s7;
	v11 =	vsel vm0, s15, v11;
	s15 =	sshrl.u32 s12, $0x1F;
	s16 =	sshra.s32 s12, $0x1F;
	s12 =	sld [smem:$0x7AB];
	v10 =	vsel vm3, s6, v10  }
0x21f: {  	v12 =	vnsel vm3, $0x0, v12;
	v11 =	vsel vm1, s9, v11;
	s9 =	sld [smem:$0x7AA];
	v10 =	vsel vm9, s5, v10  }
0x220: {  	s2 =	sshra.s32 s8, $0x6;
	s11 =	sshrl.u32 s10, $0x1F;
	v12 =	vsel vm0, s15, v12;
	s18 =	sshrl.u32 s17, $0x1F;
	v10 =	vsel vm0, s13, v10  }
0x221: {  	s1 =	sshra.s32 s10, $0x6;
	s8 =	sld [smem:$0x7AD];
	s13 =	sshrl.u32 s12, $0x1F;
	v13 =	vsel vm10, s16, v10;
	v10 =	vsel vm2, s11, v11;
	v11 =	vsel vm1, s18, v12  }
0x222: {  	s31 =	sshra.s32 s17, $0x6;
	s11 =	sshrl.u32 s9, $0x1F;
	v11 =	vsel vm2, s13, v11;
	s13 =	sld [smem:$0x7AC]  }
0x223: {  	s10 =	sshrl.u32 s4, $0x1F;
	s7 =	sshra.s32 s17, $0x1F;
	v12 =	vsel vm1, s31, v13;
	v13 =	vmov s11;
	s11 =	sld [smem:$0x7AE]  }
0x224: {  	s6 =	sshra.s32 s8, $0x6;
	s5 =	sshra.s32 s4, $0x6;
	s17 =	sshra.s32 s12, $0x1F  }
0x225: {  	s16 =	sshra.s32 s12, $0x6;
	s18 =	sshrl.u32 s8, $0x1F;
	v12 =	vsel vm11, s7, v12;
	v13 =	vsel vm0, s10, v13;
	s10 =	sld [smem:$0x7AF]  }
0x226: {  	s12 =	sld [smem:$0x7B0];
	v12 =	vsel vm2, s16, v12;
	s15 =	sshrl.u32 s13, $0x1F;
	s31 =	sshrl.u32 s11, $0x1F  }
0x227: {  	v13 =	vsel vm1, s18, v13;
	v14 =	vsel vm12, s17, v12;
	s16 =	sshra.s32 s13, $0x6;
	s17 =	sshra.s32 s9, $0x6;
	s18 =	sshra.s32 s13, $0x1F  }
0x228: {  	s9 =	sshra.s32 s11, $0x6;
	s13 =	sld [smem:$0x7B3];
	s7 =	sshrl.u32 s10, $0x1F;
	v15 =	vmov s17  }
0x229: {  	v11 =	vsel vm4, s15, v11;
	s15 =	sshrl.u32 s12, $0x1F;
	s8 =	sshra.s32 s10, $0x6;
	s17 =	sld [smem:$0x7B2];
	v15 =	vsel vm0, s5, v15  }
0x22a: {  	s10 =	sshra.s32 s11, $0x1F;
	s11 =	sshra.s32 s12, $0x6;
	v12 =	vsel vm2, s7, v13;
	v13 =	vsel vm4, s16, v14;
	s16 =	sld [smem:$0x7B1];
	v15 =	vsel vm1, s6, v15  }
0x22b: {  	s12 =	sshra.s32 s12, $0x1F;
	v11 =	vsel vm5, s31, v11;
	s31 =	sshrl.u32 s14, $0x1F;
	v13 =	vsel vm13, s18, v13;
	v15 =	vsel vm2, s8, v15;
	s8 =	sld [smem:$0x7B4]  }
0x22c: {  	v14 =	vmov s3;
	v11 =	vsel vm6, s15, v11;
	v13 =	vsel vm5, s9, v13;
	s18 =	sshrl.u32 s17, $0x1F;
	s3 =	sshra.s32 s17, $0x6;
	s17 =	sld [smem:$0x7B7]  }
0x22d: {  	s15 =	sshra.s32 s14, $0x6;
	v11 =	vsel vm7, s31, v11;
	s31 =	sshra.s32 s13, $0x1F;
	v13 =	vsel vm14, s10, v13;
	s10 =	sld [smem:$0x7B5]  }
0x22e: {  	v14 =	vsel vm0, s0, v14;
	s5 =	sshrl.u32 s16, $0x1F;
	s0 =	sshra.s32 s16, $0x6;
	v17 =	vmov s18;
	s18 =	sld [smem:$0x7B8];
	v13 =	vsel vm6, s11, v13  }
0x22f: {  	v14 =	vsel vm1, s2, v14;
	v13 =	vsel vm15, s12, v13;
	s2 =	sshrl.u32 s17, $0x1F;
	s4 =	sshra.s32 s17, $0x6;
	s17 =	sld [smem:$0x7BB]  }
0x230: {  	s9 =	sshrl.u32 s8, $0x1F;
	s11 =	sshra.s32 s10, $0x6;
	v13 =	vsel vm7, s15, v13;
	s15 =	sld [smem:$0x7B6]  }
0x231: {  	v16 =	vmov s31;
	s12 =	sshrl.u32 s10, $0x1F;
	s14 =	sshra.s32 s10, $0x1F;
	s10 =	sld [smem:$0x7B9]  }
0x232: {  	v17 =	vsel vm0, s5, v17;
	s6 =	sshra.s32 s8, $0x6;
	s31 =	sshra.s32 s18, $0x6;
	v16 =	vsel vm3, s11, v16;
	v18 =	vmov s12;
	s12 =	sld [smem:$0x7BA]  }
0x233: {  	v17 =	vsel vm1, s9, v17;
	s8 =	sshrl.u32 s18, $0x1F;
	s9 =	sshra.s32 s18, $0x1F;
	v16 =	vsel vm9, s14, v16;
	s16 =	sshrl.u32 s15, $0x1F  }
0x234: {  	v14 =	vsel vm2, s1, v14;
	s1 =	sshra.s32 s15, $0x6;
	v19 =	vsel vm0, s31, v16;
	s11 =	sshrl.u32 s10, $0x1F;
	s31 =	sld [smem:$0x7BC]  }
0x235: {  	s5 =	sshra.s32 s10, $0x6;
	s10 =	sld [smem:$0x7C0];
	s14 =	sshrl.u32 s12, $0x1F  }
0x236: {  	v18 =	vnsel vm3, $0x0, v18;
	v16 =	vsel vm2, s16, v17;
	v51 =	vsel vm10, s9, v19;
	s15 =	sshra.s32 s12, $0x6;
	s16 =	sshra.s32 s12, $0x1F;
	s12 =	sld [smem:$0x7BD]  }
0x237: {  	s18 =	sshrl.u32 s17, $0x1F;
	v50 =	vsel vm0, s8, v18;
	v18 =	vsel vm1, s15, v51;
	s15 =	sld [smem:$0x7BE]  }
0x238: {  	v52 =	vmov s11;
	s11 =	sshra.s32 s17, $0x6;
	v17 =	vsel vm1, s14, v50;
	s14 =	sshra.s32 s17, $0x1F;
	v18 =	vsel vm11, s16, v18;
	s7 =	sshrl.u32 s31, $0x1F  }
0x239: {  	v19 =	vsel vm0, s2, v52;
	s2 =	sshra.s32 s31, $0x6;
	s8 =	sshrl.u32 s12, $0x1F;
	v20 =	vsel vm2, s11, v18;
	s11 =	sld [smem:$0x7BF]  }
0x23a: {  	v54 =	vmov s3;
	v17 =	vsel vm2, s18, v17;
	v19 =	vsel vm1, s7, v19;
	s31 =	sshra.s32 s12, $0x6;
	s16 =	sshrl.u32 s15, $0x1F;
	s3 =	sshra.s32 s15, $0x6  }
0x23b: {  	v17 =	vsel vm4, s8, v17;
	v53 =	vsel vm12, s14, v20;
	s14 =	sshra.s32 s12, $0x1F;
	s15 =	sshrl.u32 s13, $0x1F;
	v20 =	vsel vm0, s0, v54;
	s8 =	sld [smem:$0x7C6]  }
0x23c: {  	v18 =	vsel vm2, s16, v19;
	v19 =	vsel vm4, s31, v53;
	v20 =	vsel vm1, s6, v20;
	s6 =	sshra.s32 s13, $0x6;
	s13 =	sld [smem:$0x7C3];
	s17 =	sshrl.u32 s11, $0x1F  }
0x23d: {  	v19 =	vsel vm13, s14, v19;
	s16 =	sshra.s32 s11, $0x6;
	v17 =	vsel vm5, s17, v17;
	s17 =	sshra.s32 s11, $0x1F;
	s11 =	sld [smem:$0x7C2]  }
0x23e: {  	v21 =	vmov s5;
	s18 =	sshrl.u32 s10, $0x1F;
	v22 =	vsel vm5, s16, v19;
	s16 =	sld [smem:$0x7C5]  }
0x23f: {  	v55 =	vsel vm0, s4, v21;
	s31 =	sshra.s32 s10, $0x1F;
	s4 =	sshrl.u32 s8, $0x1F;
	s5 =	sshra.s32 s8, $0x6  }
0x240: {  	v17 =	vsel vm6, s18, v17;
	s18 =	sshra.s32 s10, $0x6;
	s10 =	sld [smem:$0x7C1];
	v56 =	vsel vm14, s17, v22;
	s14 =	sshra.s32 s13, $0x1F  }
0x241: {  	v17 =	vsel vm7, s15, v17;
	v22 =	vsel vm6, s18, v56;
	s15 =	sld [smem:$0x7C4];
	s12 =	sshrl.u32 s11, $0x1F;
	s17 =	sshra.s32 s16, $0x6  }
0x242: {  	v57 =	vsel vm15, s31, v22;
	s18 =	sshrl.u32 s16, $0x1F;
	s31 =	sshra.s32 s16, $0x1F;
	s16 =	sld [smem:$0x7C9]  }
0x243: {  	v19 =	vsel vm2, s1, v20;
	s9 =	sshrl.u32 s10, $0x1F;
	s0 =	sshra.s32 s10, $0x6;
	s10 =	sld [smem:$0x7C7]  }
0x244: {  	v20 =	vsel vm1, s2, v55;
	v23 =	vmov s14;
	s2 =	sshra.s32 s11, $0x6;
	v24 =	vmov s18;
	s18 =	sld [smem:$0x7CA];
	s7 =	sshrl.u32 s15, $0x1F  }
0x245: {  	v58 =	vsel vm3, s17, v23;
	s1 =	sshra.s32 s15, $0x6;
	s15 =	sld [smem:$0x7C8];
	s17 =	sshrl.u32 s16, $0x1F  }
0x246: {  	v21 =	vsel vm2, s3, v20;
	v59 =	vmov s12;
	s3 =	sshra.s32 s16, $0x6;
	s11 =	sshra.s32 s10, $0x6;
	s12 =	sshrl.u32 s10, $0x1F  }
0x247: {  	v20 =	vsel vm7, s6, v57;
	v22 =	vsel vm9, s31, v58;
	s14 =	sshra.s32 s10, $0x1F;
	s31 =	sshra.s32 s18, $0x6;
	v62 =	vmov s17;
	s17 =	sld [smem:$0x7CC]  }
0x248: {  	v23 =	vsel vm0, s9, v59;
	v24 =	vnsel vm3, $0x0, v24;
	v22 =	vsel vm0, s11, v22;
	s8 =	sshrl.u32 s15, $0x1F;
	s6 =	sshra.s32 s15, $0x6;
	s15 =	sld [smem:$0x7CB]  }
0x249: {  	v23 =	vsel vm1, s7, v23;
	v60 =	vsel vm0, s12, v24;
	s12 =	sshrl.u32 s18, $0x1F;
	s11 =	sld [smem:$0x7CD];
	v25 =	vsel vm10, s14, v22;
	s14 =	sshra.s32 s18, $0x1F  }
0x24a: {  	v22 =	vsel vm2, s4, v23;
	v23 =	vsel vm1, s12, v60;
	s12 =	sld [smem:$0x7D0];
	v61 =	vsel vm1, s31, v25;
	s18 =	sshrl.u32 s17, $0x1F;
	s31 =	sshra.s32 s17, $0x6  }
0x24b: {  	s10 =	sshra.s32 s17, $0x1F;
	s17 =	sld [smem:$0x7CF];
	s16 =	sshrl.u32 s15, $0x1F  }
0x24c: {  	v24 =	vsel vm11, s14, v61;
	v23 =	vsel vm2, s18, v23;
	s7 =	sshra.s32 s15, $0x6;
	s14 =	sshrl.u32 s11, $0x1F;
	s15 =	sld [smem:$0x7CE]  }
0x24d: {  	v24 =	vsel vm2, s31, v24;
	v23 =	vsel vm4, s14, v23;
	s31 =	sshra.s32 s11, $0x6;
	s14 =	sshrl.u32 s12, $0x1F  }
0x24e: {  	v25 =	vsel vm0, s8, v62;
	v26 =	vsel vm12, s10, v24;
	s18 =	sshrl.u32 s17, $0x1F;
	s10 =	sshra.s32 s11, $0x1F;
	s11 =	sld [smem:$0x7D1]  }
0x24f: {  	v25 =	vsel vm1, s16, v25;
	s16 =	sshrl.u32 s15, $0x1F;
	v32 =	vsel vm4, s31, v26;
	s4 =	sshra.s32 s15, $0x6;
	s15 =	sshra.s32 s17, $0x6  }
0x250: {  	v23 =	vsel vm5, s18, v23;
	s18 =	sshra.s32 s12, $0x6;
	s31 =	sshra.s32 s12, $0x1F;
	s12 =	sld [smem:$0x7D2];
	v63 =	vsel vm2, s16, v25;
	v25 =	vsel vm13, s10, v32  }
0x251: {  	v23 =	vsel vm6, s14, v23;
	s16 =	sshra.s32 s17, $0x1F;
	s14 =	sld [smem:$0x7D4];
	v25 =	vsel vm5, s15, v25  }
0x252: {  	v33 =	vmov s2;
	s15 =	sld [smem:$0x7D3];
	v28 =	vsel vm14, s16, v25  }
0x253: {  	v27 =	vmov s3;
	v26 =	vsel vm0, s0, v33;
	s17 =	sshrl.u32 s13, $0x1F;
	s10 =	sshra.s32 s13, $0x6;
	v35 =	vsel vm6, s18, v28;
	s18 =	sld [smem:$0x7D6]  }
0x254: {  	v34 =	vsel vm0, s6, v27;
	v26 =	vsel vm1, s1, v26;
	v23 =	vsel vm7, s17, v23;
	s8 =	sshrl.u32 s11, $0x1F;
	s17 =	sld [smem:$0x7D5];
	s13 =	sshrl.u32 s12, $0x1F  }
0x255: {  	v25 =	vsel vm2, s5, v26;
	s3 =	sshra.s32 s12, $0x6;
	v26 =	vsel vm1, s7, v34;
	s16 =	sshra.s32 s14, $0x1F;
	s5 =	sshrl.u32 s15, $0x1F  }
0x256: {  	v27 =	vsel vm2, s4, v26;
	v28 =	vsel vm15, s31, v35;
	v29 =	vmov s16;
	s1 =	sshra.s32 s15, $0x6;
	s15 =	sld [smem:$0x7D8];
	s31 =	sshra.s32 s18, $0x6  }
0x257: {  	v37 =	vmov s13;
	s13 =	sld [smem:$0x7D7];
	v26 =	vsel vm7, s10, v28;
	s10 =	sshrl.u32 s18, $0x1F;
	s12 =	sshra.s32 s18, $0x1F;
	v36 =	vsel vm3, s31, v29  }
0x258: {  	s6 =	sshrl.u32 s17, $0x1F;
	s2 =	sshra.s32 s17, $0x6;
	v30 =	vmov s10;
	v28 =	vsel vm9, s12, v36;
	s12 =	sld [smem:$0x7DA]  }
0x259: {  	s16 =	sshra.s32 s15, $0x6;
	s17 =	sshrl.u32 s15, $0x1F;
	s31 =	sld [smem:$0x7D9];
	v30 =	vnsel vm3, $0x0, v30  }
0x25a: {  	s4 =	sshrl.u32 s13, $0x1F;
	s18 =	sshra.s32 s15, $0x1F;
	v28 =	vsel vm0, s16, v28;
	v30 =	vsel vm0, s17, v30;
	s17 =	sld [smem:$0x7DB]  }
0x25b: {  	s7 =	sshra.s32 s13, $0x6;
	v31 =	vsel vm10, s18, v28;
	s18 =	sld [smem:$0x7DC];
	s13 =	sshrl.u32 s12, $0x1F  }
0x25c: {  	v29 =	vsel vm0, s8, v37;
	s15 =	sshra.s32 s12, $0x6;
	s16 =	sshra.s32 s12, $0x1F;
	s12 =	sld [smem:$0x7DF]  }
0x25d: {  	v29 =	vsel vm1, s5, v29;
	v38 =	vsel vm1, s13, v30;
	s13 =	sld [smem:$0x7DD]  }
0x25e: {  	v28 =	vsel vm2, s6, v29;
	s8 =	sshrl.u32 s17, $0x1F;
	s6 =	sshra.s32 s17, $0x6;
	s17 =	sld [smem:$0x7DE]  }
0x25f: {  	s0 =	sshra.s32 s11, $0x6;
	s10 =	sshrl.u32 s31, $0x1F;
	s5 =	sshra.s32 s31, $0x6;
	v39 =	vsel vm1, s15, v31  }
0x260: {  	v40 =	vmov s10;
	s31 =	sshrl.u32 s18, $0x1F;
	v30 =	vsel vm11, s16, v39;
	s15 =	sshra.s32 s18, $0x6;
	s16 =	sshra.s32 s18, $0x1F  }
0x261: {  	v31 =	vsel vm0, s4, v40;
	v29 =	vsel vm2, s31, v38;
	v30 =	vsel vm2, s15, v30;
	s31 =	sshrl.u32 s12, $0x1F;
	s11 =	sshrl.u32 s13, $0x1F;
	s18 =	sshrl.u32 s17, $0x1F  }
0x262: {  	v31 =	vsel vm1, s8, v31;
	v32 =	vsel vm12, s16, v30;
	s8 =	sshra.s32 s17, $0x6;
	s16 =	sshra.s32 s13, $0x6;
	v29 =	vsel vm4, s11, v29;
	s11 =	sld [smem:$0x7E0]  }
0x263: {  	s17 =	sshra.s32 s13, $0x1F;
	v30 =	vsel vm2, s18, v31;
	v41 =	vsel vm4, s16, v32;
	s18 =	sshrl.u32 s14, $0x1F;
	s16 =	sld [smem:$0x7E1]  }
0x264: {  	v29 =	vsel vm5, s31, v29;
	s31 =	sshra.s32 s12, $0x6;
	v31 =	vsel vm13, s17, v41;
	s12 =	sshra.s32 s12, $0x1F;
	s17 =	sld [smem:$0x7E2]  }
0x265: {  	v42 =	vmov s3;
	v31 =	vsel vm5, s31, v31;
	s31 =	sld [smem:$0x7E4];
	s15 =	sshrl.u32 s11, $0x1F;
	s13 =	sshra.s32 s11, $0x6  }
0x266: {  	v32 =	vsel vm0, s0, v42;
	s10 =	sshrl.u32 s16, $0x1F;
	s0 =	sshra.s32 s16, $0x6;
	v34 =	vsel vm14, s12, v31;
	s16 =	sld [smem:$0x7E5];
	v29 =	vsel vm6, s15, v29  }
0x267: {  	v33 =	vmov s5;
	s11 =	sshra.s32 s11, $0x1F;
	s15 =	sshra.s32 s14, $0x6;
	v34 =	vsel vm6, s13, v34;
	v29 =	vsel vm7, s18, v29;
	s18 =	sld [smem:$0x7E3]  }
0x268: {  	v33 =	vsel vm0, s7, v33;
	v32 =	vsel vm1, s1, v32;
	s7 =	sshrl.u32 s17, $0x1F;
	s4 =	sshra.s32 s17, $0x6;
	v44 =	vsel vm15, s11, v34;
	s11 =	sld [smem:$0x7E6]  }
0x269: {  	v31 =	vsel vm2, s2, v32;
	s2 =	sshrl.u32 s31, $0x1F;
	s3 =	sshra.s32 s31, $0x6;
	s31 =	sld [smem:$0x7E9]  }
0x26a: {  	s9 =	sshra.s32 s16, $0x1F;
	v32 =	vsel vm7, s15, v44;
	s15 =	sld [smem:$0x7E7];
	s12 =	sshrl.u32 s18, $0x1F  }
0x26b: {  	v45 =	vmov s9;
	s1 =	sshra.s32 s18, $0x6;
	s13 =	sshrl.u32 s11, $0x1F;
	s14 =	sshra.s32 s11, $0x6  }
0x26c: {  	v10 =	vcombine.low v12, v10;
	s17 =	sshra.s32 s11, $0x1F;
	s18 =	sld [smem:$0x7E8];
	s9 =	sshrl.u32 s31, $0x1F;
	v34 =	vsel vm3, s14, v45  }
0x26d: {  	v43 =	vsel vm1, s6, v33;
	s5 =	sshrl.u32 s15, $0x1F;
	s6 =	sshra.s32 s15, $0x6;
	v34 =	vsel vm9, s17, v34;
	s17 =	sld [smem:$0x7EA]  }
0x26e: {  	v10 =	vperm.xlane v10, v0;
	v11 =	vperm.xlane v11, v1;
	v33 =	vsel vm2, s8, v43;
	s14 =	sshra.s32 s31, $0x6;
	s15 =	sshra.s32 s31, $0x1F;
	s31 =	sld [smem:$0x7EB]  }
0x26f: {  	v36 =	vmov s7;
	v35 =	vmov s13;
	v34 =	vsel vm0, s14, v34  }
0x270: {  	v36 =	vsel vm0, s10, v36;
	v35 =	vnsel vm3, $0x0, v35;
	s7 =	sshrl.u32 s18, $0x1F;
	v37 =	vsel vm10, s15, v34;
	s15 =	sld [smem:$0x7EC];
	s14 =	sshra.s32 s17, $0x6  }
0x271: {  	v36 =	vsel vm1, s12, v36;
	v35 =	vsel vm0, s9, v35;
	s8 =	sshra.s32 s18, $0x6;
	s9 =	sshrl.u32 s31, $0x1F;
	v46 =	vsel vm1, s14, v37;
	s14 =	sld [smem:$0x7ED]  }
0x272: {  	(v2sf) =	vpush v9, $0x5;
	v12 =	vcombine.low v15, v14;
	v34 =	vsel vm2, s2, v36;
	s2 =	sshra.s32 s31, $0x6;
	s31 =	sld [smem:$0x7EE];
	s18 =	sshrl.u32 s17, $0x1F  }
0x273: {  	(v2sf) =	vpush v9, $0x6;
	v10 =	vsel vm8, v11, v10;
	s13 =	sld [smem:$0x7EF];
	v35 =	vsel vm1, s18, v35;
	s11 =	sshrl.u32 s15, $0x1F  }
0x274: {  	v12 =	vperm.xlane v12, v0;
	v13 =	vperm.xlane v13, v1;
	s17 =	sshra.s32 s17, $0x1F;
	v35 =	vsel vm2, s11, v35;
	s18 =	sshrl.u32 s14, $0x1F  }
0x275: {  	s12 =	sld [smem:$0x7F0];
	v47 =	vmov s7;
	v36 =	vsel vm11, s17, v46;
	s7 =	sshrl.u32 s31, $0x1F;
	v35 =	vsel vm4, s18, v35;
	s18 =	sshra.s32 s15, $0x6  }
0x276: {  	v12 =	vsel vm8, v13, v12;
	v37 =	vsel vm0, s5, v47;
	s17 =	sshrl.u32 s13, $0x1F;
	s5 =	sshra.s32 s31, $0x6;
	s31 =	sshra.s32 s15, $0x1F;
	v36 =	vsel vm2, s18, v36  }
0x277: {  	s10 =	sshra.s32 s16, $0x6;
	v37 =	vsel vm1, s9, v37;
	s9 =	sld [smem:$0x7F3];
	v35 =	vsel vm5, s17, v35;
	s17 =	sshra.s32 s14, $0x6;
	v38 =	vsel vm12, s31, v36  }
0x278: {  	(v2sf) =	vpush v9, $0x7;
	v10 =	vadd.s32 v10, v12;
	s18 =	sshra.s32 s14, $0x1F;
	s31 =	sshrl.u32 s16, $0x1F;
	s16 =	sld [smem:$0x7F6];
	v48 =	vsel vm4, s17, v38  }
0x279: {  	v14 =	vcombine.low v18, v16;
	s11 =	sshra.s32 s13, $0x6;
	v36 =	vsel vm2, s7, v37;
	s17 =	sld [smem:$0x7F1];
	v37 =	vsel vm13, s18, v48  }
0x27a: {  	v62 =	vcombine.low v21, v19;
	v49 =	vmov s4;
	s15 =	sshrl.u32 s12, $0x1F;
	s14 =	sshra.s32 s13, $0x1F;
	s18 =	sld [smem:$0x7F2];
	v37 =	vsel vm5, s11, v37  }
0x27b: {  	v39 =	vmov s8;
	s8 =	sshra.s32 s12, $0x1F;
	v35 =	vsel vm6, s15, v35;
	s15 =	sshra.s32 s12, $0x6;
	v40 =	vsel vm14, s14, v37;
	s14 =	sld [smem:$0x7F5]  }
0x27c: {  	v13 =	vperm.xlane v14, v0;
	v14 =	vperm.xlane v17, v1;
	v38 =	vsel vm0, s0, v49;
	s12 =	sshrl.u32 s17, $0x1F;
	s0 =	sshra.s32 s17, $0x6;
	s17 =	sld [smem:$0x7F7]  }
0x27d: {  	v12 =	vperm.xlane v62, v0;
	v39 =	vsel vm0, s6, v39;
	v35 =	vsel vm7, s31, v35;
	s31 =	sshrl.u32 s18, $0x1F;
	s4 =	sshra.s32 s18, $0x6;
	s18 =	sld [smem:$0x7F8]  }
0x27e: {  	v39 =	vsel vm1, s2, v39;
	s13 =	sld [smem:$0x7F4];
	v38 =	vsel vm1, s1, v38;
	v50 =	vsel vm6, s15, v40;
	s15 =	sshra.s32 s16, $0x1F  }
0x27f: {  	v63 =	vcombine.low v63, v22;
	v37 =	vsel vm2, s3, v38;
	v38 =	vsel vm2, s5, v39;
	s3 =	sshrl.u32 s14, $0x1F;
	s6 =	sshra.s32 s14, $0x6;
	s5 =	sshrl.u32 s17, $0x1F  }
0x280: {  	v22 =	vperm.xlane v20, v1;
	v39 =	vsel vm15, s8, v50;
	v51 =	vmov s31;
	s8 =	sshra.s32 s17, $0x6;
	s17 =	sld [smem:$0x7F9];
	s31 =	sshra.s32 s18, $0x6  }
0x281: {  	v13 =	vsel vm8, v14, v13;
	v24 =	vperm.xlane v23, v1;
	v41 =	vmov s15;
	s14 =	sshrl.u32 s18, $0x1F;
	s15 =	sshra.s32 s18, $0x1F;
	s18 =	sld [smem:$0x7FA]  }
0x282: {  	v14 =	vperm.xlane v63, v0;
	v12 =	vsel vm8, v22, v12;
	s2 =	sshra.s32 s9, $0x6;
	s7 =	sshrl.u32 s9, $0x1F;
	v41 =	vsel vm3, s31, v41  }
0x283: {  	s9 =	sshrl.u32 s13, $0x1F;
	v39 =	vsel vm7, s10, v39;
	v40 =	vsel vm0, s12, v51;
	v41 =	vsel vm9, s15, v41;
	s10 =	sshrl.u32 s17, $0x1F;
	s15 =	rddreg [dreg:$0x1f]  }
0x284: {  	v11 =	vcombine.low v27, v25;
	v27 =	vmul.u32 $0xFFFFFC18, v10;
	v40 =	vsel vm1, s7, v40;
	s7 =	sshra.s32 s17, $0x6;
	s17 =	sld [smem:$0x7FB];
	s31 =	sshra.s32 s18, $0x6  }
0x285: {  	v12 =	vadd.s32 v13, v12;
	v14 =	vsel vm8, v24, v14;
	v40 =	vsel vm2, s9, v40;
	s12 =	sshrl.u32 s15, $0x1F;
	s9 =	sshra.s32 s15, $0x6;
	s15 =	sld [smem:$0x7FC]  }
0x286: {  	v11 =	vperm.xlane v11, v0;
	s1 =	sshra.s32 s13, $0x6;
	v42 =	vmov s14;
	s14 =	sshra.s32 s18, $0x1F;
	v41 =	vsel vm0, s31, v41  }
0x287: {  	v25 =	vperm.xlane v26, v1;
	v42 =	vnsel vm3, $0x0, v42;
	s13 =	sshrl.u32 s18, $0x1F;
	v41 =	vsel vm10, s14, v41;
	s18 =	sshrl.u32 s17, $0x1F;
	s31 =	sshra.s32 s17, $0x6  }
0x288: {  	v43 =	vmov s5;
	v42 =	vsel vm0, s13, v42;
	s14 =	sshra.s32 s17, $0x1F;
	v41 =	vsel vm1, s31, v41;
	s17 =	sshrl.u32 s15, $0x1F;
	s31 =	rddreg [dreg:$0x1e]  }
0x289: {  	v2 =	vadd.s32 v2, v27;
	v43 =	vsel vm0, s3, v43;
	v42 =	vsel vm1, s18, v42;
	s18 =	sshra.s32 s15, $0x6;
	s3 =	sshra.s32 s15, $0x1F;
	s13 =	sshrl.u32 s31, $0x1F  }
0x28a: {  	v11 =	vsel vm8, v25, v11;
	v42 =	vsel vm2, s17, v42;
	v41 =	vsel vm11, s14, v41;
	s15 =	sshra.s32 s31, $0x6;
	s5 =	sshra.s32 s31, $0x1F;
	s17 =	rddreg [dreg:$0x1d]  }
0x28b: {  	v11 =	vadd.s32 v14, v11;
	s31 =	rddreg [dreg:$0x1c];
	v42 =	vsel vm4, s13, v42;
	v41 =	vsel vm2, s18, v41;
	s18 =	sshrl.u32 s17, $0x1F;
	s11 =	sshra.s32 s17, $0x6  }
0x28c: {  	v43 =	vsel vm1, s10, v43;
	s10 =	sshra.s32 s17, $0x1F;
	s17 =	sshrl.u32 s31, $0x1F;
	s14 =	sshra.s32 s31, $0x6;
	v42 =	vsel vm5, s18, v42;
	v41 =	vsel vm12, s3, v41  }
0x28d: {  	v21 =	vcombine.low v30, v28;
	s13 =	sshra.s32 s31, $0x1F;
	s31 =	rddreg [dreg:$0x18];
	s18 =	sshrl.u32 s16, $0x1F;
	v44 =	vsel vm6, s17, v42;
	v45 =	vsel vm4, s15, v41  }
0x28e: {  	v42 =	vsel vm2, s12, v43;
	s12 =	sshrl.u32 s31, $0x1F;
	v41 =	vsel vm7, s18, v44;
	v52 =	vsel vm13, s5, v45;
	s18 =	sshra.s32 s31, $0x6;
	s31 =	rddreg [dreg:$0x17]  }
0x28f: {  	v28 =	vperm.xlane v21, v0;
	v53 =	vmov s4;
	v43 =	vsel vm5, s11, v52;
	s11 =	rddreg [dreg:$0x19]  }
0x290: {  	v26 =	vcombine.low v33, v31;
	v54 =	vmov s8;
	s5 =	rddreg [dreg:$0x1b];
	v44 =	vsel vm0, s0, v53;
	s3 =	sshra.s32 s31, $0x6;
	s8 =	sshrl.u32 s11, $0x1F  }
0x291: {  	v31 =	vmul.u32 $0xFFFFFC18, v12;
	v29 =	vperm.xlane v29, v1;
	v44 =	vsel vm1, s2, v44;
	s4 =	sshra.s32 s11, $0x6;
	s11 =	sshrl.u32 s31, $0x1F;
	s31 =	sld [smem:$0x7FD]  }
0x292: {  	v14 =	vperm.xlane v26, v0;
	v43 =	vsel vm14, s10, v43;
	v44 =	vsel vm2, s1, v44;
	s1 =	rddreg [dreg:$0x1a]  }
0x293: {  	v33 =	vperm.xlane v32, v1;
	s15 =	sshra.s32 s16, $0x6;
	v45 =	vsel vm0, s6, v54;
	s0 =	rddreg [dreg:$0x13];
	v43 =	vsel vm6, s14, v43;
	s6 =	sshrl.u32 s1, $0x1F  }
0x294: {  	v13 =	vsel vm8, v29, v28;
	s16 =	sshrl.u32 s5, $0x1F;
	v43 =	vsel vm15, s13, v43;
	v46 =	vmov s6;
	s6 =	sshra.s32 s0, $0x6;
	s13 =	sshra.s32 s31, $0x1F  }
0x295: {  	v14 =	vsel vm8, v33, v14;
	v43 =	vsel vm7, s15, v43;
	s15 =	sshra.s32 s1, $0x6;
	v47 =	vmov s13;
	s13 =	sshrl.u32 s0, $0x1F;
	s0 =	rddreg [dreg:$0x12]  }
0x296: {  	v13 =	vadd.s32 v13, v14;
	v48 =	vmov s16;
	v47 =	vsel vm3, s15, v47;
	s15 =	sshra.s32 s1, $0x1F;
	s1 =	sshrl.u32 s0, $0x1F  }
0x297: {  	v48 =	vsel vm0, s12, v48;
	v46 =	vnsel vm3, $0x0, v46;
	s12 =	sshra.s32 s0, $0x6;
	v47 =	vsel vm9, s15, v47;
	s15 =	sshra.s32 s0, $0x1F;
	s0 =	rddreg [dreg:$0x11]  }
0x298: {  	[tilespmem:$0x80] =	vst v10;
	v3 =	vadd.s32 v3, v31;
	v10 =	vmul.u32 $0xFFFFFC18, v13;
	s17 =	rddreg [dreg:$0x15];
	v46 =	vsel vm0, s1, v46;
	s1 =	sshrl.u32 s0, $0x1F  }
0x299: {  	v30 =	vcombine.low v36, v34;
	v48 =	vsel vm1, s8, v48;
	v47 =	vsel vm0, s12, v47;
	s8 =	sshra.s32 s0, $0x6;
	s12 =	sshra.s32 s0, $0x1F;
	s0 =	rddreg [dreg:$0x10]  }
0x29a: {  	v5 =	vadd.s32 v5, v10;
	v36 =	vmul.u32 $0xFFFFFC18, v11;
	s2 =	rddreg [dreg:$0x16];
	s10 =	sshrl.u32 s17, $0x1F;
	v49 =	vsel vm1, s1, v46;
	s1 =	sshrl.u32 s0, $0x1F  }
0x29b: {  	v16 =	vperm.xlane v30, v0;
	v46 =	vsel vm2, s10, v48;
	v47 =	vsel vm10, s15, v47;
	s10 =	sshra.s32 s0, $0x6;
	s15 =	sshra.s32 s0, $0x1F;
	s0 =	rddreg [dreg:$0xf]  }
0x29c: {  	v34 =	vcombine.low v38, v37;
	v45 =	vsel vm1, s7, v45;
	s7 =	sshrl.u32 s2, $0x1F;
	v55 =	vsel vm2, s1, v49;
	s1 =	sshrl.u32 s0, $0x1F  }
0x29d: {  	v37 =	vperm.xlane v35, v1;
	v56 =	vmov s7;
	v47 =	vsel vm1, s8, v47;
	s7 =	sshra.s32 s0, $0x6;
	s8 =	sshra.s32 s0, $0x1F;
	s0 =	rddreg [dreg:$0xe]  }
0x29e: {  	v4 =	vadd.s32 v4, v36;
	v38 =	vperm.xlane v34, v0;
	s14 =	sshra.s32 s2, $0x6;
	s2 =	rddreg [dreg:$0x14];
	v48 =	vsel vm4, s1, v55;
	s1 =	sshrl.u32 s0, $0x1F  }
0x29f: {  	v14 =	vsel vm8, v37, v16;
	s5 =	sshra.s32 s5, $0x6;
	v45 =	vsel vm2, s9, v45;
	s9 =	sshrl.u32 s2, $0x1F;
	v48 =	vsel vm5, s1, v48;
	s1 =	rddreg [dreg:$0xd]  }
0x2a0: {  	v58 =	vmov s5;
	v49 =	vsel vm0, s11, v56;
	s11 =	spop (v2sf);
	v47 =	vsel vm11, s12, v47;
	s16 =	sshra.s32 s0, $0x6;
	s12 =	sshrl.u32 s1, $0x1F  }
0x2a1: {  	v49 =	vsel vm1, s9, v49;
	s9 =	sshra.s32 s0, $0x1F;
	s0 =	sshrl.u32 s31, $0x1F;
	v51 =	vsel vm2, s10, v47;
	s5 =	sshra.s32 s1, $0x1F;
	v50 =	vsel vm6, s12, v48  }
0x2a2: {  	v62 =	vperm.xlane v41, v1;
	v57 =	vsel vm12, s15, v51;
	s12 =	smulhi.u32 $0x10624DD3, s11;
	v47 =	vsel vm7, s0, v50;
	s0 =	sshra.s32 s11, $0x1F;
	s11 =	spop (v2sf)  }
0x2a3: {  	v59 =	vmov s14;
	v48 =	vsel vm2, s13, v49;
	s13 =	sshra.s32 s1, $0x6;
	v49 =	vsel vm4, s7, v57;
	s7 =	smul.u32 $0x10624DD3, s0;
	s1 =	spop (v2sf)  }
0x2a4: {  	v51 =	vsel vm0, s3, v59;
	s3 =	sshra.s32 s31, $0x6;
	v59 =	vcombine.low v42, v40;
	v49 =	vsel vm13, s8, v49;
	s0 =	smulhi.u32 $0x10624DD3, s1;
	s10 =	sshra.s32 s1, $0x1F  }
0x2a5: {  	v63 =	vperm.xlane v43, v1;
	s15 =	rddreg [dreg:$0xc];
	v50 =	vsel vm0, s18, v58;
	v52 =	vsel vm5, s16, v49;
	s16 =	sshrl.u32 s25, $0x1F;
	s31 =	smul.u32 $0x10624DD3, s10  }
0x2a6: {  	s17 =	sshra.s32 s17, $0x6;
	s2 =	sshra.s32 s2, $0x6;
	s14 =	sshrl.u32 s15, $0x1F;
	v17 =	vperm.xlane v59, v0;
	v50 =	vsel vm1, s4, v50;
	v61 =	vmov s16  }
0x2a7: {  	s18 =	sshrl.u32 s21, $0x1F;
	v49 =	vsel vm2, s17, v50;
	v60 =	vsel vm14, s9, v52;
	s17 =	smulhi.u32 $0x10624DD3, s11;
	v52 =	vsel vm0, s14, v61;
	s0 =	sadd.s32 s31, s0  }
0x2a8: {  	[tilespmem:$0x90] =	vst v12;
	v51 =	vsel vm1, s2, v51;
	v12 =	vperm.xlane v47, v1;
	s2 =	sadd.s32 s7, s12;
	v52 =	vsel vm1, s18, v52;
	s18 =	sshra.s32 s11, $0x1F;
	s31 =	sshra.s32 s0, $0x1F  }
0x2a9: {  	[tilespmem:$0x110] =	vst v3;
	v50 =	vsel vm2, s6, v51;
	v3 =	vsel vm8, v62, v17;
	s12 =	sshrl.u32 s26, $0x1F;
	s11 =	sshra.s32 s30, $0x6;
	s4 =	smul.u32 $0x10624DD3, s18;
	v54 =	vmov s31  }
0x2aa: {  	s1 =	sshrl.u32 s23, $0x1F;
	v51 =	vsel vm6, s13, v60;
	s14 =	sshra.s32 s30, $0x1F;
	v55 =	vmov s12;
	v54 =	vsel vm3, s11, v54  }
0x2ab: {  	s10 =	sshrl.u32 s30, $0x1F;
	v60 =	vcombine.low v45, v44;
	v55 =	vsel vm0, s1, v55;
	s1 =	sadd.s32 s4, s17;
	s17 =	sshra.s32 s29, $0x6;
	v54 =	vsel vm9, s14, v54  }
0x2ac: {  	s9 =	rddreg [dreg:$0xb];
	v61 =	vcombine.low v48, v46;
	v53 =	vmov s10;
	s31 =	sshra.s32 s29, $0x1F;
	v54 =	vsel vm0, s17, v54  }
0x2ad: {  	s6 =	sshrl.u32 s9, $0x1F;
	s7 =	sshra.s32 s28, $0x6;
	v51 =	vsel vm15, s5, v51;
	v53 =	vnsel vm3, $0x0, v53;
	v54 =	vsel vm10, s31, v54  }
0x2ae: {  	v51 =	vsel vm7, s3, v51;
	v52 =	vsel vm2, s6, v52;
	s11 =	sshra.s32 s28, $0x1F;
	v54 =	vsel vm1, s7, v54  }
0x2af: {  	s13 =	sshrl.u32 s29, $0x1F;
	s12 =	sshrl.u32 s22, $0x1F;
	v16 =	vperm.xlane v60, v0;
	v10 =	vperm.xlane v61, v0;
	s14 =	sshra.s32 s24, $0x6;
	v54 =	vsel vm11, s11, v54  }
0x2b0: {  	s18 =	sshrl.u32 s20, $0x1F;
	s6 =	sshra.s32 s25, $0x6;
	v53 =	vsel vm0, s13, v53;
	v55 =	vsel vm1, s12, v55;
	s17 =	sshra.s32 s24, $0x1F;
	v54 =	vsel vm2, s14, v54  }
0x2b1: {  	s16 =	sshrl.u32 s28, $0x1F;
	v56 =	vmov s6;
	v55 =	vsel vm2, s18, v55;
	s18 =	sshra.s32 s20, $0x6;
	s20 =	sshra.s32 s19, $0x6;
	v54 =	vsel vm12, s17, v54  }
0x2b2: {  	[tilespmem:$0xB0] =	vst v13;
	s8 =	sshra.s32 s15, $0x6;
	s12 =	sshra.s32 s21, $0x6;
	s21 =	sshra.s32 s19, $0x1F;
	v13 =	vperm.xlane v51, v1;
	v53 =	vsel vm1, s16, v53;
	v54 =	vsel vm4, s20, v54  }
0x2b3: {  	s10 =	sshrl.u32 s24, $0x1F;
	v56 =	vsel vm0, s8, v56;
	v15 =	vsel vm13, s21, v54;
	v54 =	vperm.xlane v39, v1  }
0x2b4: {  	[tilespmem:$0x120] =	vst v4;
	s13 =	sshrl.u32 s19, $0x1F;
	v53 =	vsel vm2, s10, v53;
	s10 =	sshra.s32 s26, $0x6;
	v56 =	vsel vm1, s12, v56;
	v4 =	vcombine.low v55, v52  }
0x2b5: {  	s16 =	sshrl.u32 s2, $0x1F;
	v53 =	vsel vm4, s13, v53;
	v57 =	vmov s10;
	s13 =	sshra.s32 s23, $0x6;
	v58 =	vsel vm8, v54, v38  }
0x2b6: {  	s15 =	sshra.s32 s9, $0x6;
	v53 =	vsel vm5, s16, v53;
	v57 =	vsel vm0, s13, v57;
	s16 =	sshra.s32 s22, $0x6;
	v14 =	vadd.s32 v14, v58  }
0x2b7: {  	[tilespmem:$0x100] =	vst v2;
	v56 =	vsel vm2, s15, v56;
	s22 =	sshra.s32 s2, $0x6;
	v57 =	vsel vm1, s16, v57;
	v2 =	vmul.u32 $0xFFFFFC18, v14  }
0x2b8: {  	s2 =	sshra.s32 s2, $0x1F;
	v4 =	vperm.xlane v4, v0;
	v57 =	vsel vm2, s18, v57;
	v15 =	vsel vm5, s22, v15  }
0x2b9: {  	v15 =	vsel vm14, s2, v15;
	v2 =	vadd.s32 v6, v2;
	v6 =	vsel vm8, v63, v16  }
0x2ba: {  	s30 =	sshrl.u32 s1, $0x1F;
	s23 =	sshra.s32 s1, $0x6;
	v3 =	vadd.s32 v3, v6;
	v6 =	vsel vm8, v12, v10;
	v10 =	vcombine.low v50, v49  }
0x2bb: {  	[tilespmem:$0xA0] =	vst v11;
	s4 =	sshrl.u32 s0, $0x1F;
	s1 =	sshra.s32 s1, $0x1F;
	v53 =	vsel vm6, s30, v53;
	v11 =	vcombine.low v57, v56;
	v15 =	vsel vm6, s23, v15  }
0x2bc: {  	s0 =	sshra.s32 s0, $0x6;
	v53 =	vsel vm7, s4, v53;
	v15 =	vsel vm15, s1, v15;
	v10 =	vperm.xlane v10, v0  }
0x2bd: {  	[tilespmem:$0x130] =	vst v5;
	v5 =	vperm.xlane v53, v1;
	v11 =	vperm.xlane v11, v0;
	v15 =	vsel vm7, s0, v15  }
0x2be: {  	[tilespmem:$0xC0] =	vst v14;
	v12 =	vmul.u32 $0xFFFFFC18, v3;
	v10 =	vsel vm8, v13, v10;
	v13 =	vperm.xlane v15, v1  }
0x2bf: {  	v4 =	vsel vm8, v5, v4;
	[tilespmem:$0x140] =	vst v2  }
0x2c0: {  	[tilespmem:$0xD0] =	vst v3;
	v2 =	vadd.s32 v7, v12;
	v6 =	vadd.s32 v6, v10;
	v5 =	vsel vm8, v13, v11  }
0x2c1: {  	[tilespmem:$0x150] =	vst v2;
	v3 =	vmul.u32 $0xFFFFFC18, v6;
	v2 =	vadd.s32 v4, v5  }
0x2c2: {  	[tilespmem:$0xE0] =	vst v6;
	v4 =	vmul.u32 $0xFFFFFC18, v2  }
0x2c3: {  	v3 =	vadd.s32 v8, v3;
	[tilespmem:$0xF0] =	vst v2  }
0x2c4: {  	s3 =	simm.s32 $0x180;
	[tilespmem:$0x160] =	vst v3;
	v2 =	vadd.s32 v9, v4  }
0x2c5: {  	s25 =	simm.s32 $0x80;
	s29 =	simm.s32 $0x4180;
	s24 =	rddreg [dreg:$0x3];
	[tilespmem:$0x170] =	vst v2  }
0x2c6: {  	[tilespmem:s3], [sflag:$0x1] =	stream.indirect.gather [hbm4b:s24+s25], $0x80, s25, s25, $0xb8;
	[tilespmem:$0x8180] =	vst v63  }
0x2c7: {  	s26 =	rddreg [dreg:$0x4];
	s28 =	simm.s32 $0x100;
	s30 =	simm.s32 $0x1  }
0x2c8: {  	[tilespmem:s29], [sflag:$0x2] =	stream.indirect.gather [hbm4b:s26+s25], $0x80, s28, s25, $0xb8;
	[tilespmem:$0x8180] =	vst v63  }
0x2c9: {  	_ =	swait.ge [sflag:s30], $0x4000  }
0x2ca: {  	[sflag:s30] =	ssyncset.done $0x0  }
0x2cb: {  	s31 =	simm.s32 $0x2;
	[sflag:s30] =	ssyncadd.s32 $0xFFFFC000  }
0x2cc: {  	_ =	swait.ge [sflag:s31], $0x4000  }
0x2cd: {  	[sflag:s31] =	ssyncset.done $0x0  }
0x2ce: {  	s0 =	simm.s32 $0x0;
	[sflag:s31] =	ssyncadd.s32 $0xFFFFC000  }
0x2cf: {  	v9 =	vld [tilespmem:s0+$0x4180]  }
0x2d0: {  	v13 =	vld [tilespmem:s0+$0x4190]  }
0x2d1: {  	v7 =	vld [tilespmem:s0+$0x41A0]  }
0x2d2: {  	v6 =	vld [tilespmem:s0+$0x41B0]  }
0x2d3: {  	v5 =	vld [tilespmem:s0+$0x41C0]  }
0x2d4: {  	v4 =	vld [tilespmem:s0+$0x41D0]  }
0x2d5: {  	v3 =	vld [tilespmem:s0+$0x41E0]  }
0x2d6: {  	v2 =	vld [tilespmem:s0+$0x41F0]  }
0x2d7: {  	v14 =	vld [tilespmem:s0+$0x180]  }
0x2d8: {  	v15 =	vld [tilespmem:s0+$0x190]  }
0x2d9: {  	v12 =	vld [tilespmem:s0+$0x1A0]  }
0x2da: {  	v11 =	vld [tilespmem:s0+$0x1B0]  }
0x2db: {  	v10 =	vld [tilespmem:s0+$0x1C0]  }
0x2dc: {  	v8 =	vld [tilespmem:s0+$0x1D0];
	v14 =	vadd.f32 v9, v14  }
0x2dd: {  	s1 =	simm.s32 $0x200;
	v13 =	vadd.f32 v13, v15;
	v9 =	vld [tilespmem:s0+$0x1E0]  }
.LBB2_3:
0x2de: {  	s2 =	sshra.s32 s1, $0x2;
	p0 =	sne.s32 s1, $0xFE00;
	[tilespmem:s0+$0x180] =	vst v14;
	v7 =	vadd.f32 v7, v12;
	v12 =	vld [tilespmem:s0+$0x1F0]  }
0x2df: {  	v14 =	vld [tilespmem:s2+$0x4180];
	[tilespmem:s0+$0x190] =	vst v13;
	v6 =	vadd.f32 v6, v11  }
0x2e0: {  	v13 =	vld [tilespmem:s2+$0x4190];
	[tilespmem:s0+$0x1A0] =	vst v7;
	v5 =	vadd.f32 v5, v10  }
0x2e1: {  	v7 =	vld [tilespmem:s2+$0x41A0];
	[tilespmem:s0+$0x1B0] =	vst v6;
	v4 =	vadd.f32 v4, v8  }
0x2e2: {  	v6 =	vld [tilespmem:s2+$0x41B0];
	[tilespmem:s0+$0x1C0] =	vst v5;
	v3 =	vadd.f32 v3, v9  }
0x2e3: {  	v5 =	vld [tilespmem:s2+$0x41C0];
	[tilespmem:s0+$0x1D0] =	vst v4;
	v2 =	vadd.f32 v2, v12  }
0x2e4: {  	v4 =	vld [tilespmem:s2+$0x41D0];
	[tilespmem:s0+$0x1E0] =	vst v3  }
0x2e5: {  	v3 =	vld [tilespmem:s2+$0x41E0];
	[tilespmem:s0+$0x1F0] =	vst v2;
	s0 =	smov.u32 s2  }
0x2e6: {  	v2 =	vld [tilespmem:s0+$0x41F0]  }
0x2e7: {  	v8 =	vld [tilespmem:s0+$0x180]  }
0x2e8: {  	v9 =	vld [tilespmem:s0+$0x190]  }
.Ltmp0:
0x2e9: {  	v12 =	vld [tilespmem:s0+$0x1A0];
	(pc) =	sbr.rel @p0 .LBB2_3-.Ltmp0, $4  }
0x2ea: {  	v11 =	vld [tilespmem:s0+$0x1B0]  }
0x2eb: {  	v10 =	vld [tilespmem:s0+$0x1C0]  }
0x2ec: {  	v14 =	vadd.f32 v14, v8;
	v8 =	vld [tilespmem:s0+$0x1D0]  }
0x2ed: {  	s1 =	sadd.s32 $0x200, s1;
	v13 =	vadd.f32 v13, v9;
	v9 =	vld [tilespmem:s0+$0x1E0]  }
0x2ee: {  	[tilespmem:s0+$0x180] =	vst v14;
	v7 =	vadd.f32 v7, v12;
	v63 =	vld [tilespmem:s0+$0x1F0]  }
0x2ef: {  	[tilespmem:s0+$0x190] =	vst v13;
	v6 =	vadd.f32 v6, v11  }
0x2f0: {  	[tilespmem:s0+$0x1A0] =	vst v7;
	v5 =	vadd.f32 v5, v10  }
0x2f1: {  	[tilespmem:s0+$0x1B0] =	vst v6;
	v4 =	vadd.f32 v4, v8  }
0x2f2: {  	[tilespmem:s0+$0x1C0] =	vst v5;
	v3 =	vadd.f32 v3, v9  }
0x2f3: {  	s1 =	rddreg [dreg:$0xa];
	[tilespmem:s0+$0x1D0] =	vst v4;
	v2 =	vadd.f32 v2, v63  }
0x2f4: {  	s29 =	rddreg [dreg:$0x5];
	s1 =	sshll.u32 s1, $0x4;
	[tilespmem:s0+$0x1E0] =	vst v3  }
0x2f5: {  	s30 =	simm.s32 $0x0;
	s2 =	simm.s32 $0x3;
	[tilespmem:s0+$0x1F0] =	vst v2;
	s0 =	sadd.s32 s29, s1  }
0x2f6: {  	[hbm4b:s0+s30] =	stream.linear.scatter [tilespmem:s3], [sflag:$0x3], $0x4000, $0x38;
	[tilespmem:$0x8180] =	vst v63  }
0x2f7: {  	_ =	swait.ge [sflag:s2], $0x4000  }
0x2f8: {  	s31 =	rddreg [dreg:$0x9]  }
0x2f9: {  	s0 =	sadd.s32 $0x1, s31  }
0x2fa: {  	p0 =	sne.s32 s0, $0x32  }
.Ltmp1:
0x2fb: {  	_ = 	snop;
	(pc) =	sbr.rel @p0 .LBB2_2-.Ltmp1, $3  }
0x2fc: {  	_ =	sdelay $0x1  }
0x2fd: {  	[sflag:s2] =	ssyncset.done $0x0  }
0x2fe: {  	[sflag:s2] =	ssyncadd.s32 $0xFFFFC000  }
0x2ff: {  	s1 =	rddreg [dreg:$0x8]  }
0x300: {  	s0 =	rddreg [dreg:$0x7];
	s1 =	sadd.s32 $0x1, s1  }
0x301: {  	p0 =	sne.s32 s1, s0  }
.Ltmp2:
0x302: {  	_ = 	snop;
	(pc) =	sbr.rel @p0 .LBB2_1-.Ltmp2, $1  }
0x303: {  	_ =	sdelay $0x3  }
0x304: {  	_ =	sfence.sel $0x180000  }
0x305: {  	[bflag:$0x0] =	sbarrier.arrive $0xFFFF  }
0x306: {  	_ =	strace $0x90000047  }
0x307: {  	s0 =	stileid.u32;
	[bflag:$0x2] =	sbarrier.arrive $0xFFFF  }
0x308: {  	p0 =	sne.s32 s0, $0x0;
	s0 =	rddreg [dreg:$0x2]  }
0x309: {  	s0 =	sadd.s32 @!p0 $0x100000, s0  }
0x30a: {  	[sflag:s0] =	ssyncadd.tile.s32 @!p0 $0x1;
	_ =	shalt  }
.Lfunc_end2:
_tile_overlayer_lowered:
.L_overlay_start_2:
0x30b: {  	(tag) =	ssettag $0x2  }
0x30c: {  	s0 =	rddreg [dreg:$0x0];
	s2 =	stileid.u32  }
0x30d: {  	s1 =	rddreg [dreg:$0x1];
	p0 =	sne.s32 s2, $0x0  }
0x30e: {  	s3 =	rddreg [dreg:$0x2];
	[bflag:$0x3] =	sbarrier.arrive $0xFFFF;
	s2 =	simm.s32 @!p0 $0x1C03  }
0x30f: {  	[timem:s3], [sflag:s2] =	dma.local @!p0 [hbm:s0], s1  }
0x310: {  	s0 =	simm.s32 @!p0 $0x3  }
0x311: {  	_ =	swait.ge @!p0 [sflag:s0], s1  }
0x312: {  	s1 =	ssub.s32 @!p0 $0x0, s1;
	[sflag:s0] =	ssyncset.done @!p0 $0x0  }
0x313: {  	[sflag:s0] =	ssyncadd.s32 @!p0 s1  }
0x314: {  	[bflag:$0x3] =	sbarrier.arrive $0xFFFF  }
0x315: {  	_ =	shalt  }

</sc_bundles>
